<compile_context>
chip_gen: v7x
topology: tpu7x:2x2x1
jax: 0.10.2.dev20260603
libtpu: 0.0.44.dev20260713+nightly
codegen_flags: <defaults>
</compile_context>

<pallas_src>
import functools

import jax
import jax.numpy as jnp
from jax import lax
from jax.experimental import pallas as pl
from jax.experimental.pallas import tpu as pltpu
from jax.experimental.pallas import tpu_sc as plsc

N = 10000
D = 128
NUM_CORES = 2
NUM_SUBCORES = 16
NW = NUM_CORES * NUM_SUBCORES
CHUNK = 128
CH = 80
EPT = CH * CHUNK
EP = NW * EPT
NPAD = 10112
RPS = NPAD // NUM_SUBCORES

_mesh = plsc.VectorSubcoreMesh(core_axis_name="c", subcore_axis_name="s")


def _scatter_add_layer(h, idx_g, zeros):

    @functools.partial(
        pl.kernel,
        out_type=jax.ShapeDtypeStruct((NUM_CORES, NPAD, D), jnp.float32),
        mesh=_mesh,
        scratch_types=[
            pltpu.VMEM((2, CHUNK), jnp.int32),
            pltpu.VMEM((2, CHUNK), jnp.int32),
            pltpu.VMEM((CHUNK, D), jnp.float32),
            pltpu.VMEM((CHUNK, D), jnp.float32),
            pltpu.VMEM_SHARED((NPAD, D), jnp.float32),
            pltpu.SemaphoreType.DMA,
            pltpu.SemaphoreType.DMA,
            pltpu.SemaphoreType.DMA,
            pltpu.SemaphoreType.DMA,
            pltpu.SemaphoreType.DMA,
            pltpu.SemaphoreType.DMA,
        ],
    )
    def k(h_hbm, idx_hbm, z_hbm, out_hbm,
          ib_a, ib_b, db_a, db_b, acc,
          sem_ia, sem_ib, sem_ga, sem_gb, sem_sa, sem_sb):
        c = lax.axis_index("c")
        s = lax.axis_index("s")
        wid = c * NUM_SUBCORES + s
        pltpu.sync_copy(z_hbm, acc.at[pl.ds(s * RPS, RPS)])
        pltpu.async_copy(idx_hbm.at[wid, 0], ib_a, sem_ia)
        pltpu.async_copy(idx_hbm.at[wid, 1], ib_b, sem_ib)
        plsc.subcore_barrier()

        @pl.loop(0, CH, step=2)
        def _(j):
            pltpu.make_async_copy(idx_hbm.at[wid, j], ib_a, sem_ia).wait()
            cg_a = pltpu.async_copy(h_hbm.at[ib_a.at[0]], db_a, sem_ga)
            pltpu.make_async_copy(idx_hbm.at[wid, j + 1], ib_b, sem_ib).wait()
            cg_b = pltpu.async_copy(h_hbm.at[ib_b.at[0]], db_b, sem_gb)
            cg_a.wait()
            cs_a = pltpu.async_copy(db_a, acc.at[ib_a.at[1]], sem_sa, add=True)
            cg_b.wait()
            cs_b = pltpu.async_copy(db_b, acc.at[ib_b.at[1]], sem_sb, add=True)
            cs_a.wait()

            @pl.when(j + 2 < CH)
            def _():
                pltpu.async_copy(idx_hbm.at[wid, j + 2], ib_a, sem_ia)

            cs_b.wait()

            @pl.when(j + 3 < CH)
            def _():
                pltpu.async_copy(idx_hbm.at[wid, j + 3], ib_b, sem_ib)

        plsc.subcore_barrier()
        pltpu.sync_copy(acc.at[pl.ds(s * RPS, RPS)],
                        out_hbm.at[c, pl.ds(s * RPS, RPS)])

    return k(h, idx_g, zeros)


def _mm_body(x_ref, w_ref, o_ref):
    o_ref[...] = lax.dot_general(
        x_ref[...], w_ref[...], (((1,), (0,)), ((), ())),
        precision=lax.Precision.HIGHEST, preferred_element_type=jnp.float32)


def _matmul(x, w, block):
    m = x.shape[0]
    return pl.pallas_call(
        _mm_body,
        grid=(m // block,),
        in_specs=[pl.BlockSpec((block, D), lambda i: (i, 0)),
                  pl.BlockSpec((D, D), lambda i: (0, 0))],
        out_specs=pl.BlockSpec((block, D), lambda i: (i, 0)),
        out_shape=jax.ShapeDtypeStruct((m, D), jnp.float32),
    )(x, w)


def _mid_body(p_ref, b_ref, w_ref, o_ref):
    z = jnp.maximum(p_ref[0] + p_ref[1] + b_ref[...], 0.0)
    o_ref[...] = lax.dot_general(
        z, w_ref[...], (((1,), (0,)), ((), ())),
        precision=lax.Precision.HIGHEST, preferred_element_type=jnp.float32)


def _mid(partials, b, w, block):
    return pl.pallas_call(
        _mid_body,
        grid=(N // block,),
        in_specs=[pl.BlockSpec((NUM_CORES, block, D), lambda i: (0, i, 0)),
                  pl.BlockSpec((1, D), lambda i: (0, 0)),
                  pl.BlockSpec((D, D), lambda i: (0, 0))],
        out_specs=pl.BlockSpec((block, D), lambda i: (i, 0)),
        out_shape=jax.ShapeDtypeStruct((N, D), jnp.float32),
    )(partials, b, w)


def _final_body(q_ref, b_ref, o_ref):
    z = q_ref[0] + q_ref[1] + b_ref[...]
    m = jnp.max(z, axis=-1, keepdims=True)
    e = z - m
    lse = jnp.log(jnp.sum(jnp.exp(e), axis=-1, keepdims=True))
    o_ref[...] = e - lse


def _final(partials, b, block):
    return pl.pallas_call(
        _final_body,
        grid=(N // block,),
        in_specs=[pl.BlockSpec((NUM_CORES, block, D), lambda i: (0, i, 0)),
                  pl.BlockSpec((1, D), lambda i: (0, 0))],
        out_specs=pl.BlockSpec((block, D), lambda i: (i, 0)),
        out_shape=jax.ShapeDtypeStruct((N, D), jnp.float32),
    )(partials, b)


def _prep_edges(edge_index):
    src = edge_index[0].astype(jnp.int32)
    dst = edge_index[1].astype(jnp.int32)
    pad = EP - src.shape[0]
    src = jnp.concatenate([src, jnp.zeros((pad,), jnp.int32)])
    dst = jnp.concatenate([dst, jnp.full((pad,), NPAD - 1, jnp.int32)])
    return jnp.stack([src.reshape(NW, CH, CHUNK),
                      dst.reshape(NW, CH, CHUNK)], axis=2)


def kernel(x, edge_index1, edge_index2, W1, b1, W2, b2):
    idx1 = _prep_edges(edge_index1)
    idx2 = _prep_edges(edge_index2)
    zeros = jnp.zeros((RPS, D), jnp.float32)
    h1 = _matmul(x, W1, 2000)
    p1 = _scatter_add_layer(h1, idx1, zeros)
    h2 = _mid(p1, b1.reshape(1, D), W2, 2000)
    p2 = _scatter_add_layer(h2, idx2, zeros)
    return _final(p2, b2.reshape(1, D), 2000)

# --- scband reference (transcript-rebuilt; emitter-appended) ---
"""Pipeline reference for scband-origin-module-53953379173267 (READ-ONLY COPY).

The authoritative reference and input builder live on the scoring server;
editing this copy changes nothing except your own understanding.
"""

import jax, jax.numpy as jnp
import numpy as np

N = 10000
E = 320000
D_IN = 128
D_H = 128
D_OUT = 128


def setup_inputs(seed: int = 0) -> dict:
    key = jax.random.key(seed)
    ks = jax.random.split(key, 8)
    x = jax.random.normal(ks[0], (N, D_IN), dtype=jnp.float32)
    edge_index1 = jax.random.randint(ks[1], (2, E), 0, N, dtype=jnp.int64 if jax.config.jax_enable_x64 else jnp.int32)
    edge_index2 = jax.random.randint(ks[2], (2, E), 0, N, dtype=jnp.int64 if jax.config.jax_enable_x64 else jnp.int32)
    # GCNConv parameters (glorot-style init for weights, zeros for bias, matching PyG defaults)
    W1 = jax.random.normal(ks[3], (D_IN, D_H), dtype=jnp.float32) * (1.0 / np.sqrt(D_IN))
    b1 = jnp.zeros((D_H,), dtype=jnp.float32)
    W2 = jax.random.normal(ks[4], (D_H, D_OUT), dtype=jnp.float32) * (1.0 / np.sqrt(D_H))
    b2 = jnp.zeros((D_OUT,), dtype=jnp.float32)
    return {"x": x, "edge_index1": edge_index1, "edge_index2": edge_index2,
            "W1": W1, "b1": b1, "W2": W2, "b2": b2}


def _gcn_conv(x, edge_index, W, b):
    # GCNConv(normalize=False): h = x @ W; out[dst] += h[src]; out += bias
    h = x @ W
    src = edge_index[0]
    dst = edge_index[1]
    msgs = jnp.take(h, src, axis=0)
    agg = jnp.zeros((x.shape[0], h.shape[1]), dtype=h.dtype).at[dst].add(msgs)
    return agg + b


def reference(x, edge_index1, edge_index2, W1, b1, W2, b2):
    # Layer 1
    h = _gcn_conv(x, edge_index1, W1, b1)
    h = jax.nn.relu(h)
    # dropout(p=0.5) is identity in eval mode
    # Layer 2
    out = _gcn_conv(h, edge_index2, W2, b2)
    return jax.nn.log_softmax(out, axis=-1)

if __name__ == "__main__":
    import jax
    _d = setup_inputs()
    print(jax.jit(kernel)(*tuple(_d.values())))

</pallas_src>

<mosaic_0001>
#map = affine_map<(d0, d1) -> (0, 0)>
#map1 = affine_map<(d0, d1) -> (0, 0, 0, 0)>
#map2 = affine_map<(d0, d1) -> (0, 0, 0)>
module attributes {stable_mosaic.version = 14 : i64} {
  func.func @k(%arg0: i32, %arg1: i32, %arg2: memref<10000x128xf32, #tpu.memory_space<hbm>>, %arg3: memref<32x80x2x128xi32, #tpu.memory_space<hbm>>, %arg4: memref<632x128xf32, #tpu.memory_space<hbm>>, %arg5: memref<2x10112x128xf32, #tpu.memory_space<hbm>>, %arg6: memref<2x128xi32, #tpu.memory_space<vmem>>, %arg7: memref<2x128xi32, #tpu.memory_space<vmem>>, %arg8: memref<128x128xf32, #tpu.memory_space<vmem>>, %arg9: memref<128x128xf32, #tpu.memory_space<vmem>>, %arg10: memref<10112x128xf32, #tpu.memory_space<vmem_shared>>, %arg11: memref<!tpu.dma_semaphore, #tpu.memory_space<semaphore_mem>>, %arg12: memref<!tpu.dma_semaphore, #tpu.memory_space<semaphore_mem>>, %arg13: memref<!tpu.dma_semaphore, #tpu.memory_space<semaphore_mem>>, %arg14: memref<!tpu.dma_semaphore, #tpu.memory_space<semaphore_mem>>, %arg15: memref<!tpu.dma_semaphore, #tpu.memory_space<semaphore_mem>>, %arg16: memref<!tpu.dma_semaphore, #tpu.memory_space<semaphore_mem>>) attributes {dimension_semantics = [#tpu.dimension_semantics<core_parallel>, #tpu.dimension_semantics<subcore_parallel>], iteration_bounds = array<i64: 2, 16>, scalar_prefetch = 0 : i64, scratch_operands = 11 : i64, tpu.core_type = #tpu.core_type<sc_vector_subcore>, window_params = [{transform_indices = #map}, {transform_indices = #map1}, {transform_indices = #map}, {transform_indices = #map2}]} {
    %mul3A = arith.constant 16 : i32
    %mul3A_0 = arith.muli %arg0, %mul3A : i32
    %add3A = arith.addi %mul3A_0, %arg1 : i32
    %mul3A_1 = arith.constant 632 : i32
    %mul3A_2 = arith.muli %arg1, %mul3A_1 : i32
    "tpu.region"() ({
      %run_scoped3A = tpu.sem_alloc : memref<!tpu.dma_semaphore, #tpu.memory_space<semaphore_mem>>
      %dma_start3A_29 = arith.constant 0 : i32
      %dma_start3A_30 = tpu.memref_slice %arg10[%mul3A_2, %dma_start3A_29] : memref<10112x128xf32, #tpu.memory_space<vmem_shared>> -> memref<632x128xf32, #tpu.memory_space<vmem_shared>>
      tpu.enqueue_dma source(%arg4 : memref<632x128xf32, #tpu.memory_space<hbm>>) target(%dma_start3A_30 : memref<632x128xf32, #tpu.memory_space<vmem_shared>>) target_semaphore(%run_scoped3A : memref<!tpu.dma_semaphore, #tpu.memory_space<semaphore_mem>>)
      %dma_wait3A = arith.constant 0 : i32
      %dma_wait3A_31 = tpu.memref_slice %arg10[%mul3A_2, %dma_wait3A] : memref<10112x128xf32, #tpu.memory_space<vmem_shared>> -> memref<632x128xf32, #tpu.memory_space<vmem_shared>>
      tpu.wait_dma2 semaphore(%run_scoped3A : memref<!tpu.dma_semaphore, #tpu.memory_space<semaphore_mem>>) src(%arg4 : memref<632x128xf32, #tpu.memory_space<hbm>>) dst(%dma_wait3A_31 : memref<632x128xf32, #tpu.memory_space<vmem_shared>>)
      tpu.yield
    }) : () -> ()
    %dma_start3A = arith.constant 0 : i32
    %dma_start3A_3 = arith.constant 0 : i32
    %dma_start3A_4 = arith.constant 0 : i32
    %dma_start3A_5 = tpu.memref_slice %arg3[%add3A, %dma_start3A, %dma_start3A_3, %dma_start3A_4] : memref<32x80x2x128xi32, #tpu.memory_space<hbm>> -> memref<1x1x2x128xi32, #tpu.memory_space<hbm>>
    %dma_start3A_6 = tpu.memref_squeeze %dma_start3A_5 : memref<1x1x2x128xi32, #tpu.memory_space<hbm>> -> memref<2x128xi32, #tpu.memory_space<hbm>>
    %dma_start3A_7 = arith.constant 0 : i32
    %dma_start3A_8 = arith.constant 0 : i32
    %dma_start3A_9 = tpu.memref_slice %arg3[%add3A, %dma_start3A, %dma_start3A_7, %dma_start3A_8] : memref<32x80x2x128xi32, #tpu.memory_space<hbm>> -> memref<1x1x2x128xi32, #tpu.memory_space<hbm>>
    %dma_start3A_10 = tpu.memref_squeeze %dma_start3A_9 : memref<1x1x2x128xi32, #tpu.memory_space<hbm>> -> memref<2x128xi32, #tpu.memory_space<hbm>>
    tpu.enqueue_dma source(%dma_start3A_10 : memref<2x128xi32, #tpu.memory_space<hbm>>) target(%arg6 : memref<2x128xi32, #tpu.memory_space<vmem>>) target_semaphore(%arg11 : memref<!tpu.dma_semaphore, #tpu.memory_space<semaphore_mem>>)
    %dma_start3A_11 = arith.constant 1 : i32
    %dma_start3A_12 = arith.constant 0 : i32
    %dma_start3A_13 = arith.constant 0 : i32
    %dma_start3A_14 = tpu.memref_slice %arg3[%add3A, %dma_start3A_11, %dma_start3A_12, %dma_start3A_13] : memref<32x80x2x128xi32, #tpu.memory_space<hbm>> -> memref<1x1x2x128xi32, #tpu.memory_space<hbm>>
    %dma_start3A_15 = tpu.memref_squeeze %dma_start3A_14 : memref<1x1x2x128xi32, #tpu.memory_space<hbm>> -> memref<2x128xi32, #tpu.memory_space<hbm>>
    %dma_start3A_16 = arith.constant 0 : i32
    %dma_start3A_17 = arith.constant 0 : i32
    %dma_start3A_18 = tpu.memref_slice %arg3[%add3A, %dma_start3A_11, %dma_start3A_16, %dma_start3A_17] : memref<32x80x2x128xi32, #tpu.memory_space<hbm>> -> memref<1x1x2x128xi32, #tpu.memory_space<hbm>>
    %dma_start3A_19 = tpu.memref_squeeze %dma_start3A_18 : memref<1x1x2x128xi32, #tpu.memory_space<hbm>> -> memref<2x128xi32, #tpu.memory_space<hbm>>
    tpu.enqueue_dma source(%dma_start3A_19 : memref<2x128xi32, #tpu.memory_space<hbm>>) target(%arg7 : memref<2x128xi32, #tpu.memory_space<vmem>>) target_semaphore(%arg12 : memref<!tpu.dma_semaphore, #tpu.memory_space<semaphore_mem>>)
    %barrier3A = arith.constant 0 : index
    tpu.barrier barrier_id(%barrier3A)
    %scan3A = arith.constant 0 : i32
    %scan3A_20 = arith.constant 40 : i32
    %scan3A_21 = arith.addi %scan3A, %scan3A_20 : i32
    %scan3A_22 = arith.constant 1 : i32
    scf.for %scan3A_29 = %scan3A to %scan3A_21 step %scan3A_22  : i32 {
      %mul3A_30 = arith.constant 2 : i32
      %mul3A_31 = arith.muli %scan3A_29, %mul3A_30 : i32
      %add3A_32 = arith.constant 0 : i32
      %add3A_33 = arith.addi %add3A_32, %mul3A_31 : i32
      %dma_wait3A = arith.constant 0 : i32
      %dma_wait3A_34 = arith.constant 0 : i32
      %dma_wait3A_35 = tpu.memref_slice %arg3[%add3A, %add3A_33, %dma_wait3A, %dma_wait3A_34] : memref<32x80x2x128xi32, #tpu.memory_space<hbm>> -> memref<1x1x2x128xi32, #tpu.memory_space<hbm>>
      %dma_wait3A_36 = tpu.memref_squeeze %dma_wait3A_35 : memref<1x1x2x128xi32, #tpu.memory_space<hbm>> -> memref<2x128xi32, #tpu.memory_space<hbm>>
      %dma_wait3A_37 = arith.constant 0 : i32
      %dma_wait3A_38 = arith.constant 0 : i32
      %dma_wait3A_39 = tpu.memref_slice %arg3[%add3A, %add3A_33, %dma_wait3A_37, %dma_wait3A_38] : memref<32x80x2x128xi32, #tpu.memory_space<hbm>> -> memref<1x1x2x128xi32, #tpu.memory_space<hbm>>
      %dma_wait3A_40 = tpu.memref_squeeze %dma_wait3A_39 : memref<1x1x2x128xi32, #tpu.memory_space<hbm>> -> memref<2x128xi32, #tpu.memory_space<hbm>>
      tpu.wait_dma2 semaphore(%arg11 : memref<!tpu.dma_semaphore, #tpu.memory_space<semaphore_mem>>) src(%dma_wait3A_40 : memref<2x128xi32, #tpu.memory_space<hbm>>) dst(%arg6 : memref<2x128xi32, #tpu.memory_space<vmem>>)
      %dma_start3A_41 = arith.constant 0 : i32
      %dma_start3A_42 = arith.constant 0 : i32
      %dma_start3A_43 = tpu.memref_slice %arg6[%dma_start3A_41, %dma_start3A_42] : memref<2x128xi32, #tpu.memory_space<vmem>> -> memref<1x128xi32, #tpu.memory_space<vmem>>
      %dma_start3A_44 = tpu.memref_squeeze %dma_start3A_43 : memref<1x128xi32, #tpu.memory_space<vmem>> -> memref<128xi32, #tpu.memory_space<vmem>>
      %dma_start3A_45 = arith.constant 0 : i32
      %dma_start3A_46 = arith.constant 0 : i32
      %dma_start3A_47 = tpu.memref_slice %arg2[%dma_start3A_45, %dma_start3A_46] : memref<10000x128xf32, #tpu.memory_space<hbm>> -> memref<10000x128xf32, #tpu.memory_space<hbm>>
      tpu.enqueue_indirect_dma source(%dma_start3A_47 : memref<10000x128xf32, #tpu.memory_space<hbm>>) target(%arg8 : memref<128x128xf32, #tpu.memory_space<vmem>>) offsets(%dma_start3A_44 : memref<128xi32, #tpu.memory_space<vmem>>) semaphore(%arg13 : memref<!tpu.dma_semaphore, #tpu.memory_space<semaphore_mem>>)
      %add3A_48 = arith.constant 1 : i32
      %add3A_49 = arith.addi %add3A_33, %add3A_48 : i32
      %dma_wait3A_50 = arith.constant 0 : i32
      %dma_wait3A_51 = arith.constant 0 : i32
      %dma_wait3A_52 = tpu.memref_slice %arg3[%add3A, %add3A_49, %dma_wait3A_50, %dma_wait3A_51] : memref<32x80x2x128xi32, #tpu.memory_space<hbm>> -> memref<1x1x2x128xi32, #tpu.memory_space<hbm>>
      %dma_wait3A_53 = tpu.memref_squeeze %dma_wait3A_52 : memref<1x1x2x128xi32, #tpu.memory_space<hbm>> -> memref<2x128xi32, #tpu.memory_space<hbm>>
      %dma_wait3A_54 = arith.constant 0 : i32
      %dma_wait3A_55 = arith.constant 0 : i32
      %dma_wait3A_56 = tpu.memref_slice %arg3[%add3A, %add3A_49, %dma_wait3A_54, %dma_wait3A_55] : memref<32x80x2x128xi32, #tpu.memory_space<hbm>> -> memref<1x1x2x128xi32, #tpu.memory_space<hbm>>
      %dma_wait3A_57 = tpu.memref_squeeze %dma_wait3A_56 : memref<1x1x2x128xi32, #tpu.memory_space<hbm>> -> memref<2x128xi32, #tpu.memory_space<hbm>>
      tpu.wait_dma2 semaphore(%arg12 : memref<!tpu.dma_semaphore, #tpu.memory_space<semaphore_mem>>) src(%dma_wait3A_57 : memref<2x128xi32, #tpu.memory_space<hbm>>) dst(%arg7 : memref<2x128xi32, #tpu.memory_space<vmem>>)
      %dma_start3A_58 = arith.constant 0 : i32
      %dma_start3A_59 = arith.constant 0 : i32
      %dma_start3A_60 = tpu.memref_slice %arg7[%dma_start3A_58, %dma_start3A_59] : memref<2x128xi32, #tpu.memory_space<vmem>> -> memref<1x128xi32, #tpu.memory_space<vmem>>
      %dma_start3A_61 = tpu.memref_squeeze %dma_start3A_60 : memref<1x128xi32, #tpu.memory_space<vmem>> -> memref<128xi32, #tpu.memory_space<vmem>>
      %dma_start3A_62 = arith.constant 0 : i32
      %dma_start3A_63 = arith.constant 0 : i32
      %dma_start3A_64 = tpu.memref_slice %arg2[%dma_start3A_62, %dma_start3A_63] : memref<10000x128xf32, #tpu.memory_space<hbm>> -> memref<10000x128xf32, #tpu.memory_space<hbm>>
      tpu.enqueue_indirect_dma source(%dma_start3A_64 : memref<10000x128xf32, #tpu.memory_space<hbm>>) target(%arg9 : memref<128x128xf32, #tpu.memory_space<vmem>>) offsets(%dma_start3A_61 : memref<128xi32, #tpu.memory_space<vmem>>) semaphore(%arg14 : memref<!tpu.dma_semaphore, #tpu.memory_space<semaphore_mem>>)
      %dma_wait3A_65 = arith.constant 0 : i32
      %dma_wait3A_66 = arith.constant 0 : i32
      %dma_wait3A_67 = tpu.memref_slice %arg6[%dma_wait3A_65, %dma_wait3A_66] : memref<2x128xi32, #tpu.memory_space<vmem>> -> memref<1x128xi32, #tpu.memory_space<vmem>>
      %dma_wait3A_68 = tpu.memref_squeeze %dma_wait3A_67 : memref<1x128xi32, #tpu.memory_space<vmem>> -> memref<128xi32, #tpu.memory_space<vmem>>
      %dma_wait3A_69 = arith.constant 0 : i32
      %dma_wait3A_70 = arith.constant 0 : i32
      %dma_wait3A_71 = tpu.memref_slice %arg2[%dma_wait3A_69, %dma_wait3A_70] : memref<10000x128xf32, #tpu.memory_space<hbm>> -> memref<10000x128xf32, #tpu.memory_space<hbm>>
      tpu.wait_indirect_dma semaphore(%arg13 : memref<!tpu.dma_semaphore, #tpu.memory_space<semaphore_mem>>) src(%dma_wait3A_71 : memref<10000x128xf32, #tpu.memory_space<hbm>>) dst(%arg8 : memref<128x128xf32, #tpu.memory_space<vmem>>)
      %dma_start3A_72 = arith.constant 1 : i32
      %dma_start3A_73 = arith.constant 0 : i32
      %dma_start3A_74 = tpu.memref_slice %arg6[%dma_start3A_72, %dma_start3A_73] : memref<2x128xi32, #tpu.memory_space<vmem>> -> memref<1x128xi32, #tpu.memory_space<vmem>>
      %dma_start3A_75 = tpu.memref_squeeze %dma_start3A_74 : memref<1x128xi32, #tpu.memory_space<vmem>> -> memref<128xi32, #tpu.memory_space<vmem>>
      %dma_start3A_76 = arith.constant 0 : i32
      %dma_start3A_77 = arith.constant 0 : i32
      %dma_start3A_78 = tpu.memref_slice %arg10[%dma_start3A_76, %dma_start3A_77] : memref<10112x128xf32, #tpu.memory_space<vmem_shared>> -> memref<10112x128xf32, #tpu.memory_space<vmem_shared>>
      tpu.enqueue_indirect_dma source(%arg8 : memref<128x128xf32, #tpu.memory_space<vmem>>) target(%dma_start3A_78 : memref<10112x128xf32, #tpu.memory_space<vmem_shared>>) offsets(%dma_start3A_75 : memref<128xi32, #tpu.memory_space<vmem>>) semaphore(%arg15 : memref<!tpu.dma_semaphore, #tpu.memory_space<semaphore_mem>>) {add = true}
      %dma_wait3A_79 = arith.constant 0 : i32
      %dma_wait3A_80 = arith.constant 0 : i32
      %dma_wait3A_81 = tpu.memref_slice %arg7[%dma_wait3A_79, %dma_wait3A_80] : memref<2x128xi32, #tpu.memory_space<vmem>> -> memref<1x128xi32, #tpu.memory_space<vmem>>
      %dma_wait3A_82 = tpu.memref_squeeze %dma_wait3A_81 : memref<1x128xi32, #tpu.memory_space<vmem>> -> memref<128xi32, #tpu.memory_space<vmem>>
      %dma_wait3A_83 = arith.constant 0 : i32
      %dma_wait3A_84 = arith.constant 0 : i32
      %dma_wait3A_85 = tpu.memref_slice %arg2[%dma_wait3A_83, %dma_wait3A_84] : memref<10000x128xf32, #tpu.memory_space<hbm>> -> memref<10000x128xf32, #tpu.memory_space<hbm>>
      tpu.wait_indirect_dma semaphore(%arg14 : memref<!tpu.dma_semaphore, #tpu.memory_space<semaphore_mem>>) src(%dma_wait3A_85 : memref<10000x128xf32, #tpu.memory_space<hbm>>) dst(%arg9 : memref<128x128xf32, #tpu.memory_space<vmem>>)
      %dma_start3A_86 = arith.constant 1 : i32
      %dma_start3A_87 = arith.constant 0 : i32
      %dma_start3A_88 = tpu.memref_slice %arg7[%dma_start3A_86, %dma_start3A_87] : memref<2x128xi32, #tpu.memory_space<vmem>> -> memref<1x128xi32, #tpu.memory_space<vmem>>
      %dma_start3A_89 = tpu.memref_squeeze %dma_start3A_88 : memref<1x128xi32, #tpu.memory_space<vmem>> -> memref<128xi32, #tpu.memory_space<vmem>>
      %dma_start3A_90 = arith.constant 0 : i32
      %dma_start3A_91 = arith.constant 0 : i32
      %dma_start3A_92 = tpu.memref_slice %arg10[%dma_start3A_90, %dma_start3A_91] : memref<10112x128xf32, #tpu.memory_space<vmem_shared>> -> memref<10112x128xf32, #tpu.memory_space<vmem_shared>>
      tpu.enqueue_indirect_dma source(%arg9 : memref<128x128xf32, #tpu.memory_space<vmem>>) target(%dma_start3A_92 : memref<10112x128xf32, #tpu.memory_space<vmem_shared>>) offsets(%dma_start3A_89 : memref<128xi32, #tpu.memory_space<vmem>>) semaphore(%arg16 : memref<!tpu.dma_semaphore, #tpu.memory_space<semaphore_mem>>) {add = true}
      %dma_wait3A_93 = arith.constant 1 : i32
      %dma_wait3A_94 = arith.constant 0 : i32
      %dma_wait3A_95 = tpu.memref_slice %arg6[%dma_wait3A_93, %dma_wait3A_94] : memref<2x128xi32, #tpu.memory_space<vmem>> -> memref<1x128xi32, #tpu.memory_space<vmem>>
      %dma_wait3A_96 = tpu.memref_squeeze %dma_wait3A_95 : memref<1x128xi32, #tpu.memory_space<vmem>> -> memref<128xi32, #tpu.memory_space<vmem>>
      %dma_wait3A_97 = arith.constant 0 : i32
      %dma_wait3A_98 = arith.constant 0 : i32
      %dma_wait3A_99 = tpu.memref_slice %arg10[%dma_wait3A_97, %dma_wait3A_98] : memref<10112x128xf32, #tpu.memory_space<vmem_shared>> -> memref<10112x128xf32, #tpu.memory_space<vmem_shared>>
      tpu.wait_indirect_dma semaphore(%arg15 : memref<!tpu.dma_semaphore, #tpu.memory_space<semaphore_mem>>) src(%arg8 : memref<128x128xf32, #tpu.memory_space<vmem>>) dst(%dma_wait3A_99 : memref<10112x128xf32, #tpu.memory_space<vmem_shared>>)
      %add3A_100 = arith.constant 2 : i32
      %add3A_101 = arith.addi %add3A_33, %add3A_100 : i32
      %lt3A = arith.constant 80 : i32
      %lt3A_102 = arith.cmpi slt, %add3A_101, %lt3A : i32
      %convert_element_type3A = arith.extui %lt3A_102 : i1 to i32
      %cond3A = arith.constant 0 : i32
      %cond3A_103 = arith.cmpi ne, %convert_element_type3A, %cond3A : i32
      scf.if %cond3A_103 {
        %add3A_118 = arith.constant 2 : i32
        %add3A_119 = arith.addi %add3A_33, %add3A_118 : i32
        %dma_start3A_120 = arith.constant 0 : i32
        %dma_start3A_121 = arith.constant 0 : i32
        %dma_start3A_122 = tpu.memref_slice %arg3[%add3A, %add3A_119, %dma_start3A_120, %dma_start3A_121] : memref<32x80x2x128xi32, #tpu.memory_space<hbm>> -> memref<1x1x2x128xi32, #tpu.memory_space<hbm>>
        %dma_start3A_123 = tpu.memref_squeeze %dma_start3A_122 : memref<1x1x2x128xi32, #tpu.memory_space<hbm>> -> memref<2x128xi32, #tpu.memory_space<hbm>>
        %dma_start3A_124 = arith.constant 0 : i32
        %dma_start3A_125 = arith.constant 0 : i32
        %dma_start3A_126 = tpu.memref_slice %arg3[%add3A, %add3A_119, %dma_start3A_124, %dma_start3A_125] : memref<32x80x2x128xi32, #tpu.memory_space<hbm>> -> memref<1x1x2x128xi32, #tpu.memory_space<hbm>>
        %dma_start3A_127 = tpu.memref_squeeze %dma_start3A_126 : memref<1x1x2x128xi32, #tpu.memory_space<hbm>> -> memref<2x128xi32, #tpu.memory_space<hbm>>
        tpu.enqueue_dma source(%dma_start3A_127 : memref<2x128xi32, #tpu.memory_space<hbm>>) target(%arg6 : memref<2x128xi32, #tpu.memory_space<vmem>>) target_semaphore(%arg11 : memref<!tpu.dma_semaphore, #tpu.memory_space<semaphore_mem>>)
      } else {
      }
      %dma_wait3A_104 = arith.constant 1 : i32
      %dma_wait3A_105 = arith.constant 0 : i32
      %dma_wait3A_106 = tpu.memref_slice %arg7[%dma_wait3A_104, %dma_wait3A_105] : memref<2x128xi32, #tpu.memory_space<vmem>> -> memref<1x128xi32, #tpu.memory_space<vmem>>
      %dma_wait3A_107 = tpu.memref_squeeze %dma_wait3A_106 : memref<1x128xi32, #tpu.memory_space<vmem>> -> memref<128xi32, #tpu.memory_space<vmem>>
      %dma_wait3A_108 = arith.constant 0 : i32
      %dma_wait3A_109 = arith.constant 0 : i32
      %dma_wait3A_110 = tpu.memref_slice %arg10[%dma_wait3A_108, %dma_wait3A_109] : memref<10112x128xf32, #tpu.memory_space<vmem_shared>> -> memref<10112x128xf32, #tpu.memory_space<vmem_shared>>
      tpu.wait_indirect_dma semaphore(%arg16 : memref<!tpu.dma_semaphore, #tpu.memory_space<semaphore_mem>>) src(%arg9 : memref<128x128xf32, #tpu.memory_space<vmem>>) dst(%dma_wait3A_110 : memref<10112x128xf32, #tpu.memory_space<vmem_shared>>)
      %add3A_111 = arith.constant 3 : i32
      %add3A_112 = arith.addi %add3A_33, %add3A_111 : i32
      %lt3A_113 = arith.constant 80 : i32
      %lt3A_114 = arith.cmpi slt, %add3A_112, %lt3A_113 : i32
      %convert_element_type3A_115 = arith.extui %lt3A_114 : i1 to i32
      %cond3A_116 = arith.constant 0 : i32
      %cond3A_117 = arith.cmpi ne, %convert_element_type3A_115, %cond3A_116 : i32
      scf.if %cond3A_117 {
        %add3A_118 = arith.constant 3 : i32
        %add3A_119 = arith.addi %add3A_33, %add3A_118 : i32
        %dma_start3A_120 = arith.constant 0 : i32
        %dma_start3A_121 = arith.constant 0 : i32
        %dma_start3A_122 = tpu.memref_slice %arg3[%add3A, %add3A_119, %dma_start3A_120, %dma_start3A_121] : memref<32x80x2x128xi32, #tpu.memory_space<hbm>> -> memref<1x1x2x128xi32, #tpu.memory_space<hbm>>
        %dma_start3A_123 = tpu.memref_squeeze %dma_start3A_122 : memref<1x1x2x128xi32, #tpu.memory_space<hbm>> -> memref<2x128xi32, #tpu.memory_space<hbm>>
        %dma_start3A_124 = arith.constant 0 : i32
        %dma_start3A_125 = arith.constant 0 : i32
        %dma_start3A_126 = tpu.memref_slice %arg3[%add3A, %add3A_119, %dma_start3A_124, %dma_start3A_125] : memref<32x80x2x128xi32, #tpu.memory_space<hbm>> -> memref<1x1x2x128xi32, #tpu.memory_space<hbm>>
        %dma_start3A_127 = tpu.memref_squeeze %dma_start3A_126 : memref<1x1x2x128xi32, #tpu.memory_space<hbm>> -> memref<2x128xi32, #tpu.memory_space<hbm>>
        tpu.enqueue_dma source(%dma_start3A_127 : memref<2x128xi32, #tpu.memory_space<hbm>>) target(%arg7 : memref<2x128xi32, #tpu.memory_space<vmem>>) target_semaphore(%arg12 : memref<!tpu.dma_semaphore, #tpu.memory_space<semaphore_mem>>)
      } else {
      }
    }
    %scan3A_23 = arith.constant 40 : i32
    %barrier3A_24 = arith.constant 0 : index
    tpu.barrier barrier_id(%barrier3A_24)
    %mul3A_25 = arith.constant 632 : i32
    %mul3A_26 = arith.muli %arg1, %mul3A_25 : i32
    %mul3A_27 = arith.constant 632 : i32
    %mul3A_28 = arith.muli %arg1, %mul3A_27 : i32
    "tpu.region"() ({
      %run_scoped3A = tpu.sem_alloc : memref<!tpu.dma_semaphore, #tpu.memory_space<semaphore_mem>>
      %dma_start3A_29 = arith.constant 0 : i32
      %dma_start3A_30 = tpu.memref_slice %arg5[%arg0, %mul3A_28, %dma_start3A_29] : memref<2x10112x128xf32, #tpu.memory_space<hbm>> -> memref<1x632x128xf32, #tpu.memory_space<hbm>>
      %dma_start3A_31 = tpu.memref_squeeze %dma_start3A_30 : memref<1x632x128xf32, #tpu.memory_space<hbm>> -> memref<632x128xf32, #tpu.memory_space<hbm>>
      %dma_start3A_32 = arith.constant 0 : i32
      %dma_start3A_33 = tpu.memref_slice %arg10[%mul3A_26, %dma_start3A_32] : memref<10112x128xf32, #tpu.memory_space<vmem_shared>> -> memref<632x128xf32, #tpu.memory_space<vmem_shared>>
      tpu.enqueue_dma source(%dma_start3A_33 : memref<632x128xf32, #tpu.memory_space<vmem_shared>>) target(%dma_start3A_31 : memref<632x128xf32, #tpu.memory_space<hbm>>) target_semaphore(%run_scoped3A : memref<!tpu.dma_semaphore, #tpu.memory_space<semaphore_mem>>)
      %dma_wait3A = arith.constant 0 : i32
      %dma_wait3A_34 = tpu.memref_slice %arg5[%arg0, %mul3A_28, %dma_wait3A] : memref<2x10112x128xf32, #tpu.memory_space<hbm>> -> memref<1x632x128xf32, #tpu.memory_space<hbm>>
      %dma_wait3A_35 = tpu.memref_squeeze %dma_wait3A_34 : memref<1x632x128xf32, #tpu.memory_space<hbm>> -> memref<632x128xf32, #tpu.memory_space<hbm>>
      %dma_wait3A_36 = arith.constant 0 : i32
      %dma_wait3A_37 = tpu.memref_slice %arg10[%mul3A_26, %dma_wait3A_36] : memref<10112x128xf32, #tpu.memory_space<vmem_shared>> -> memref<632x128xf32, #tpu.memory_space<vmem_shared>>
      tpu.wait_dma2 semaphore(%run_scoped3A : memref<!tpu.dma_semaphore, #tpu.memory_space<semaphore_mem>>) src(%dma_wait3A_37 : memref<632x128xf32, #tpu.memory_space<vmem_shared>>) dst(%dma_wait3A_35 : memref<632x128xf32, #tpu.memory_space<hbm>>)
      tpu.yield
    }) : () -> ()
    return
  }
}

#map = affine_map<(d0, d1) -> (0, 0)>
#map1 = affine_map<(d0, d1) -> (0, 0, 0, 0)>
#map2 = affine_map<(d0, d1) -> (0, 0, 0)>
module attributes {stable_mosaic.version = 14 : i64} {
  func.func @k(%arg0: i32, %arg1: i32, %arg2: memref<10000x128xf32, #tpu.memory_space<hbm>>, %arg3: memref<32x80x2x128xi32, #tpu.memory_space<hbm>>, %arg4: memref<632x128xf32, #tpu.memory_space<hbm>>, %arg5: memref<2x10112x128xf32, #tpu.memory_space<hbm>>, %arg6: memref<2x128xi32, #tpu.memory_space<vmem>>, %arg7: memref<2x128xi32, #tpu.memory_space<vmem>>, %arg8: memref<128x128xf32, #tpu.memory_space<vmem>>, %arg9: memref<128x128xf32, #tpu.memory_space<vmem>>, %arg10: memref<10112x128xf32, #tpu.memory_space<vmem_shared>>, %arg11: memref<!tpu.dma_semaphore, #tpu.memory_space<semaphore_mem>>, %arg12: memref<!tpu.dma_semaphore, #tpu.memory_space<semaphore_mem>>, %arg13: memref<!tpu.dma_semaphore, #tpu.memory_space<semaphore_mem>>, %arg14: memref<!tpu.dma_semaphore, #tpu.memory_space<semaphore_mem>>, %arg15: memref<!tpu.dma_semaphore, #tpu.memory_space<semaphore_mem>>, %arg16: memref<!tpu.dma_semaphore, #tpu.memory_space<semaphore_mem>>) attributes {dimension_semantics = [#tpu.dimension_semantics<core_parallel>, #tpu.dimension_semantics<subcore_parallel>], iteration_bounds = array<i64: 2, 16>, scalar_prefetch = 0 : i64, scratch_operands = 11 : i64, tpu.core_type = #tpu.core_type<sc_vector_subcore>, window_params = [{transform_indices = #map}, {transform_indices = #map1}, {transform_indices = #map}, {transform_indices = #map2}]} {
    %mul3A = arith.constant 16 : i32
    %mul3A_0 = arith.muli %arg0, %mul3A : i32
    %add3A = arith.addi %mul3A_0, %arg1 : i32
    %mul3A_1 = arith.constant 632 : i32
    %mul3A_2 = arith.muli %arg1, %mul3A_1 : i32
    "tpu.region"() ({
      %run_scoped3A = tpu.sem_alloc : memref<!tpu.dma_semaphore, #tpu.memory_space<semaphore_mem>>
      %dma_start3A_29 = arith.constant 0 : i32
      %dma_start3A_30 = tpu.memref_slice %arg10[%mul3A_2, %dma_start3A_29] : memref<10112x128xf32, #tpu.memory_space<vmem_shared>> -> memref<632x128xf32, #tpu.memory_space<vmem_shared>>
      tpu.enqueue_dma source(%arg4 : memref<632x128xf32, #tpu.memory_space<hbm>>) target(%dma_start3A_30 : memref<632x128xf32, #tpu.memory_space<vmem_shared>>) target_semaphore(%run_scoped3A : memref<!tpu.dma_semaphore, #tpu.memory_space<semaphore_mem>>)
      %dma_wait3A = arith.constant 0 : i32
      %dma_wait3A_31 = tpu.memref_slice %arg10[%mul3A_2, %dma_wait3A] : memref<10112x128xf32, #tpu.memory_space<vmem_shared>> -> memref<632x128xf32, #tpu.memory_space<vmem_shared>>
      tpu.wait_dma2 semaphore(%run_scoped3A : memref<!tpu.dma_semaphore, #tpu.memory_space<semaphore_mem>>) src(%arg4 : memref<632x128xf32, #tpu.memory_space<hbm>>) dst(%dma_wait3A_31 : memref<632x128xf32, #tpu.memory_space<vmem_shared>>)
      tpu.yield
    }) : () -> ()
    %dma_start3A = arith.constant 0 : i32
    %dma_start3A_3 = arith.constant 0 : i32
    %dma_start3A_4 = arith.constant 0 : i32
    %dma_start3A_5 = tpu.memref_slice %arg3[%add3A, %dma_start3A, %dma_start3A_3, %dma_start3A_4] : memref<32x80x2x128xi32, #tpu.memory_space<hbm>> -> memref<1x1x2x128xi32, #tpu.memory_space<hbm>>
    %dma_start3A_6 = tpu.memref_squeeze %dma_start3A_5 : memref<1x1x2x128xi32, #tpu.memory_space<hbm>> -> memref<2x128xi32, #tpu.memory_space<hbm>>
    %dma_start3A_7 = arith.constant 0 : i32
    %dma_start3A_8 = arith.constant 0 : i32
    %dma_start3A_9 = tpu.memref_slice %arg3[%add3A, %dma_start3A, %dma_start3A_7, %dma_start3A_8] : memref<32x80x2x128xi32, #tpu.memory_space<hbm>> -> memref<1x1x2x128xi32, #tpu.memory_space<hbm>>
    %dma_start3A_10 = tpu.memref_squeeze %dma_start3A_9 : memref<1x1x2x128xi32, #tpu.memory_space<hbm>> -> memref<2x128xi32, #tpu.memory_space<hbm>>
    tpu.enqueue_dma source(%dma_start3A_10 : memref<2x128xi32, #tpu.memory_space<hbm>>) target(%arg6 : memref<2x128xi32, #tpu.memory_space<vmem>>) target_semaphore(%arg11 : memref<!tpu.dma_semaphore, #tpu.memory_space<semaphore_mem>>)
    %dma_start3A_11 = arith.constant 1 : i32
    %dma_start3A_12 = arith.constant 0 : i32
    %dma_start3A_13 = arith.constant 0 : i32
    %dma_start3A_14 = tpu.memref_slice %arg3[%add3A, %dma_start3A_11, %dma_start3A_12, %dma_start3A_13] : memref<32x80x2x128xi32, #tpu.memory_space<hbm>> -> memref<1x1x2x128xi32, #tpu.memory_space<hbm>>
    %dma_start3A_15 = tpu.memref_squeeze %dma_start3A_14 : memref<1x1x2x128xi32, #tpu.memory_space<hbm>> -> memref<2x128xi32, #tpu.memory_space<hbm>>
    %dma_start3A_16 = arith.constant 0 : i32
    %dma_start3A_17 = arith.constant 0 : i32
    %dma_start3A_18 = tpu.memref_slice %arg3[%add3A, %dma_start3A_11, %dma_start3A_16, %dma_start3A_17] : memref<32x80x2x128xi32, #tpu.memory_space<hbm>> -> memref<1x1x2x128xi32, #tpu.memory_space<hbm>>
    %dma_start3A_19 = tpu.memref_squeeze %dma_start3A_18 : memref<1x1x2x128xi32, #tpu.memory_space<hbm>> -> memref<2x128xi32, #tpu.memory_space<hbm>>
    tpu.enqueue_dma source(%dma_start3A_19 : memref<2x128xi32, #tpu.memory_space<hbm>>) target(%arg7 : memref<2x128xi32, #tpu.memory_space<vmem>>) target_semaphore(%arg12 : memref<!tpu.dma_semaphore, #tpu.memory_space<semaphore_mem>>)
    %barrier3A = arith.constant 0 : index
    tpu.barrier barrier_id(%barrier3A)
    %scan3A = arith.constant 0 : i32
    %scan3A_20 = arith.constant 40 : i32
    %scan3A_21 = arith.addi %scan3A, %scan3A_20 : i32
    %scan3A_22 = arith.constant 1 : i32
    scf.for %scan3A_29 = %scan3A to %scan3A_21 step %scan3A_22  : i32 {
      %mul3A_30 = arith.constant 2 : i32
      %mul3A_31 = arith.muli %scan3A_29, %mul3A_30 : i32
      %add3A_32 = arith.constant 0 : i32
      %add3A_33 = arith.addi %add3A_32, %mul3A_31 : i32
      %dma_wait3A = arith.constant 0 : i32
      %dma_wait3A_34 = arith.constant 0 : i32
      %dma_wait3A_35 = tpu.memref_slice %arg3[%add3A, %add3A_33, %dma_wait3A, %dma_wait3A_34] : memref<32x80x2x128xi32, #tpu.memory_space<hbm>> -> memref<1x1x2x128xi32, #tpu.memory_space<hbm>>
      %dma_wait3A_36 = tpu.memref_squeeze %dma_wait3A_35 : memref<1x1x2x128xi32, #tpu.memory_space<hbm>> -> memref<2x128xi32, #tpu.memory_space<hbm>>
      %dma_wait3A_37 = arith.constant 0 : i32
      %dma_wait3A_38 = arith.constant 0 : i32
      %dma_wait3A_39 = tpu.memref_slice %arg3[%add3A, %add3A_33, %dma_wait3A_37, %dma_wait3A_38] : memref<32x80x2x128xi32, #tpu.memory_space<hbm>> -> memref<1x1x2x128xi32, #tpu.memory_space<hbm>>
      %dma_wait3A_40 = tpu.memref_squeeze %dma_wait3A_39 : memref<1x1x2x128xi32, #tpu.memory_space<hbm>> -> memref<2x128xi32, #tpu.memory_space<hbm>>
      tpu.wait_dma2 semaphore(%arg11 : memref<!tpu.dma_semaphore, #tpu.memory_space<semaphore_mem>>) src(%dma_wait3A_40 : memref<2x128xi32, #tpu.memory_space<hbm>>) dst(%arg6 : memref<2x128xi32, #tpu.memory_space<vmem>>)
      %dma_start3A_41 = arith.constant 0 : i32
      %dma_start3A_42 = arith.constant 0 : i32
      %dma_start3A_43 = tpu.memref_slice %arg6[%dma_start3A_41, %dma_start3A_42] : memref<2x128xi32, #tpu.memory_space<vmem>> -> memref<1x128xi32, #tpu.memory_space<vmem>>
      %dma_start3A_44 = tpu.memref_squeeze %dma_start3A_43 : memref<1x128xi32, #tpu.memory_space<vmem>> -> memref<128xi32, #tpu.memory_space<vmem>>
      %dma_start3A_45 = arith.constant 0 : i32
      %dma_start3A_46 = arith.constant 0 : i32
      %dma_start3A_47 = tpu.memref_slice %arg2[%dma_start3A_45, %dma_start3A_46] : memref<10000x128xf32, #tpu.memory_space<hbm>> -> memref<10000x128xf32, #tpu.memory_space<hbm>>
      tpu.enqueue_indirect_dma source(%dma_start3A_47 : memref<10000x128xf32, #tpu.memory_space<hbm>>) target(%arg8 : memref<128x128xf32, #tpu.memory_space<vmem>>) offsets(%dma_start3A_44 : memref<128xi32, #tpu.memory_space<vmem>>) semaphore(%arg13 : memref<!tpu.dma_semaphore, #tpu.memory_space<semaphore_mem>>)
      %add3A_48 = arith.constant 1 : i32
      %add3A_49 = arith.addi %add3A_33, %add3A_48 : i32
      %dma_wait3A_50 = arith.constant 0 : i32
      %dma_wait3A_51 = arith.constant 0 : i32
      %dma_wait3A_52 = tpu.memref_slice %arg3[%add3A, %add3A_49, %dma_wait3A_50, %dma_wait3A_51] : memref<32x80x2x128xi32, #tpu.memory_space<hbm>> -> memref<1x1x2x128xi32, #tpu.memory_space<hbm>>
      %dma_wait3A_53 = tpu.memref_squeeze %dma_wait3A_52 : memref<1x1x2x128xi32, #tpu.memory_space<hbm>> -> memref<2x128xi32, #tpu.memory_space<hbm>>
      %dma_wait3A_54 = arith.constant 0 : i32
      %dma_wait3A_55 = arith.constant 0 : i32
      %dma_wait3A_56 = tpu.memref_slice %arg3[%add3A, %add3A_49, %dma_wait3A_54, %dma_wait3A_55] : memref<32x80x2x128xi32, #tpu.memory_space<hbm>> -> memref<1x1x2x128xi32, #tpu.memory_space<hbm>>
      %dma_wait3A_57 = tpu.memref_squeeze %dma_wait3A_56 : memref<1x1x2x128xi32, #tpu.memory_space<hbm>> -> memref<2x128xi32, #tpu.memory_space<hbm>>
      tpu.wait_dma2 semaphore(%arg12 : memref<!tpu.dma_semaphore, #tpu.memory_space<semaphore_mem>>) src(%dma_wait3A_57 : memref<2x128xi32, #tpu.memory_space<hbm>>) dst(%arg7 : memref<2x128xi32, #tpu.memory_space<vmem>>)
      %dma_start3A_58 = arith.constant 0 : i32
      %dma_start3A_59 = arith.constant 0 : i32
      %dma_start3A_60 = tpu.memref_slice %arg7[%dma_start3A_58, %dma_start3A_59] : memref<2x128xi32, #tpu.memory_space<vmem>> -> memref<1x128xi32, #tpu.memory_space<vmem>>
      %dma_start3A_61 = tpu.memref_squeeze %dma_start3A_60 : memref<1x128xi32, #tpu.memory_space<vmem>> -> memref<128xi32, #tpu.memory_space<vmem>>
      %dma_start3A_62 = arith.constant 0 : i32
      %dma_start3A_63 = arith.constant 0 : i32
      %dma_start3A_64 = tpu.memref_slice %arg2[%dma_start3A_62, %dma_start3A_63] : memref<10000x128xf32, #tpu.memory_space<hbm>> -> memref<10000x128xf32, #tpu.memory_space<hbm>>
      tpu.enqueue_indirect_dma source(%dma_start3A_64 : memref<10000x128xf32, #tpu.memory_space<hbm>>) target(%arg9 : memref<128x128xf32, #tpu.memory_space<vmem>>) offsets(%dma_start3A_61 : memref<128xi32, #tpu.memory_space<vmem>>) semaphore(%arg14 : memref<!tpu.dma_semaphore, #tpu.memory_space<semaphore_mem>>)
      %dma_wait3A_65 = arith.constant 0 : i32
      %dma_wait3A_66 = arith.constant 0 : i32
      %dma_wait3A_67 = tpu.memref_slice %arg6[%dma_wait3A_65, %dma_wait3A_66] : memref<2x128xi32, #tpu.memory_space<vmem>> -> memref<1x128xi32, #tpu.memory_space<vmem>>
      %dma_wait3A_68 = tpu.memref_squeeze %dma_wait3A_67 : memref<1x128xi32, #tpu.memory_space<vmem>> -> memref<128xi32, #tpu.memory_space<vmem>>
      %dma_wait3A_69 = arith.constant 0 : i32
      %dma_wait3A_70 = arith.constant 0 : i32
      %dma_wait3A_71 = tpu.memref_slice %arg2[%dma_wait3A_69, %dma_wait3A_70] : memref<10000x128xf32, #tpu.memory_space<hbm>> -> memref<10000x128xf32, #tpu.memory_space<hbm>>
      tpu.wait_indirect_dma semaphore(%arg13 : memref<!tpu.dma_semaphore, #tpu.memory_space<semaphore_mem>>) src(%dma_wait3A_71 : memref<10000x128xf32, #tpu.memory_space<hbm>>) dst(%arg8 : memref<128x128xf32, #tpu.memory_space<vmem>>)
      %dma_start3A_72 = arith.constant 1 : i32
      %dma_start3A_73 = arith.constant 0 : i32
      %dma_start3A_74 = tpu.memref_slice %arg6[%dma_start3A_72, %dma_start3A_73] : memref<2x128xi32, #tpu.memory_space<vmem>> -> memref<1x128xi32, #tpu.memory_space<vmem>>
      %dma_start3A_75 = tpu.memref_squeeze %dma_start3A_74 : memref<1x128xi32, #tpu.memory_space<vmem>> -> memref<128xi32, #tpu.memory_space<vmem>>
      %dma_start3A_76 = arith.constant 0 : i32
      %dma_start3A_77 = arith.constant 0 : i32
      %dma_start3A_78 = tpu.memref_slice %arg10[%dma_start3A_76, %dma_start3A_77] : memref<10112x128xf32, #tpu.memory_space<vmem_shared>> -> memref<10112x128xf32, #tpu.memory_space<vmem_shared>>
      tpu.enqueue_indirect_dma source(%arg8 : memref<128x128xf32, #tpu.memory_space<vmem>>) target(%dma_start3A_78 : memref<10112x128xf32, #tpu.memory_space<vmem_shared>>) offsets(%dma_start3A_75 : memref<128xi32, #tpu.memory_space<vmem>>) semaphore(%arg15 : memref<!tpu.dma_semaphore, #tpu.memory_space<semaphore_mem>>) {add = true}
      %dma_wait3A_79 = arith.constant 0 : i32
      %dma_wait3A_80 = arith.constant 0 : i32
      %dma_wait3A_81 = tpu.memref_slice %arg7[%dma_wait3A_79, %dma_wait3A_80] : memref<2x128xi32, #tpu.memory_space<vmem>> -> memref<1x128xi32, #tpu.memory_space<vmem>>
      %dma_wait3A_82 = tpu.memref_squeeze %dma_wait3A_81 : memref<1x128xi32, #tpu.memory_space<vmem>> -> memref<128xi32, #tpu.memory_space<vmem>>
      %dma_wait3A_83 = arith.constant 0 : i32
      %dma_wait3A_84 = arith.constant 0 : i32
      %dma_wait3A_85 = tpu.memref_slice %arg2[%dma_wait3A_83, %dma_wait3A_84] : memref<10000x128xf32, #tpu.memory_space<hbm>> -> memref<10000x128xf32, #tpu.memory_space<hbm>>
      tpu.wait_indirect_dma semaphore(%arg14 : memref<!tpu.dma_semaphore, #tpu.memory_space<semaphore_mem>>) src(%dma_wait3A_85 : memref<10000x128xf32, #tpu.memory_space<hbm>>) dst(%arg9 : memref<128x128xf32, #tpu.memory_space<vmem>>)
      %dma_start3A_86 = arith.constant 1 : i32
      %dma_start3A_87 = arith.constant 0 : i32
      %dma_start3A_88 = tpu.memref_slice %arg7[%dma_start3A_86, %dma_start3A_87] : memref<2x128xi32, #tpu.memory_space<vmem>> -> memref<1x128xi32, #tpu.memory_space<vmem>>
      %dma_start3A_89 = tpu.memref_squeeze %dma_start3A_88 : memref<1x128xi32, #tpu.memory_space<vmem>> -> memref<128xi32, #tpu.memory_space<vmem>>
      %dma_start3A_90 = arith.constant 0 : i32
      %dma_start3A_91 = arith.constant 0 : i32
      %dma_start3A_92 = tpu.memref_slice %arg10[%dma_start3A_90, %dma_start3A_91] : memref<10112x128xf32, #tpu.memory_space<vmem_shared>> -> memref<10112x128xf32, #tpu.memory_space<vmem_shared>>
      tpu.enqueue_indirect_dma source(%arg9 : memref<128x128xf32, #tpu.memory_space<vmem>>) target(%dma_start3A_92 : memref<10112x128xf32, #tpu.memory_space<vmem_shared>>) offsets(%dma_start3A_89 : memref<128xi32, #tpu.memory_space<vmem>>) semaphore(%arg16 : memref<!tpu.dma_semaphore, #tpu.memory_space<semaphore_mem>>) {add = true}
      %dma_wait3A_93 = arith.constant 1 : i32
      %dma_wait3A_94 = arith.constant 0 : i32
      %dma_wait3A_95 = tpu.memref_slice %arg6[%dma_wait3A_93, %dma_wait3A_94] : memref<2x128xi32, #tpu.memory_space<vmem>> -> memref<1x128xi32, #tpu.memory_space<vmem>>
      %dma_wait3A_96 = tpu.memref_squeeze %dma_wait3A_95 : memref<1x128xi32, #tpu.memory_space<vmem>> -> memref<128xi32, #tpu.memory_space<vmem>>
      %dma_wait3A_97 = arith.constant 0 : i32
      %dma_wait3A_98 = arith.constant 0 : i32
      %dma_wait3A_99 = tpu.memref_slice %arg10[%dma_wait3A_97, %dma_wait3A_98] : memref<10112x128xf32, #tpu.memory_space<vmem_shared>> -> memref<10112x128xf32, #tpu.memory_space<vmem_shared>>
      tpu.wait_indirect_dma semaphore(%arg15 : memref<!tpu.dma_semaphore, #tpu.memory_space<semaphore_mem>>) src(%arg8 : memref<128x128xf32, #tpu.memory_space<vmem>>) dst(%dma_wait3A_99 : memref<10112x128xf32, #tpu.memory_space<vmem_shared>>)
      %add3A_100 = arith.constant 2 : i32
      %add3A_101 = arith.addi %add3A_33, %add3A_100 : i32
      %lt3A = arith.constant 80 : i32
      %lt3A_102 = arith.cmpi slt, %add3A_101, %lt3A : i32
      %convert_element_type3A = arith.extui %lt3A_102 : i1 to i32
      %cond3A = arith.constant 0 : i32
      %cond3A_103 = arith.cmpi ne, %convert_element_type3A, %cond3A : i32
      scf.if %cond3A_103 {
        %add3A_118 = arith.constant 2 : i32
        %add3A_119 = arith.addi %add3A_33, %add3A_118 : i32
        %dma_start3A_120 = arith.constant 0 : i32
        %dma_start3A_121 = arith.constant 0 : i32
        %dma_start3A_122 = tpu.memref_slice %arg3[%add3A, %add3A_119, %dma_start3A_120, %dma_start3A_121] : memref<32x80x2x128xi32, #tpu.memory_space<hbm>> -> memref<1x1x2x128xi32, #tpu.memory_space<hbm>>
        %dma_start3A_123 = tpu.memref_squeeze %dma_start3A_122 : memref<1x1x2x128xi32, #tpu.memory_space<hbm>> -> memref<2x128xi32, #tpu.memory_space<hbm>>
        %dma_start3A_124 = arith.constant 0 : i32
        %dma_start3A_125 = arith.constant 0 : i32
        %dma_start3A_126 = tpu.memref_slice %arg3[%add3A, %add3A_119, %dma_start3A_124, %dma_start3A_125] : memref<32x80x2x128xi32, #tpu.memory_space<hbm>> -> memref<1x1x2x128xi32, #tpu.memory_space<hbm>>
        %dma_start3A_127 = tpu.memref_squeeze %dma_start3A_126 : memref<1x1x2x128xi32, #tpu.memory_space<hbm>> -> memref<2x128xi32, #tpu.memory_space<hbm>>
        tpu.enqueue_dma source(%dma_start3A_127 : memref<2x128xi32, #tpu.memory_space<hbm>>) target(%arg6 : memref<2x128xi32, #tpu.memory_space<vmem>>) target_semaphore(%arg11 : memref<!tpu.dma_semaphore, #tpu.memory_space<semaphore_mem>>)
      } else {
      }
      %dma_wait3A_104 = arith.constant 1 : i32
      %dma_wait3A_105 = arith.constant 0 : i32
      %dma_wait3A_106 = tpu.memref_slice %arg7[%dma_wait3A_104, %dma_wait3A_105] : memref<2x128xi32, #tpu.memory_space<vmem>> -> memref<1x128xi32, #tpu.memory_space<vmem>>
      %dma_wait3A_107 = tpu.memref_squeeze %dma_wait3A_106 : memref<1x128xi32, #tpu.memory_space<vmem>> -> memref<128xi32, #tpu.memory_space<vmem>>
      %dma_wait3A_108 = arith.constant 0 : i32
      %dma_wait3A_109 = arith.constant 0 : i32
      %dma_wait3A_110 = tpu.memref_slice %arg10[%dma_wait3A_108, %dma_wait3A_109] : memref<10112x128xf32, #tpu.memory_space<vmem_shared>> -> memref<10112x128xf32, #tpu.memory_space<vmem_shared>>
      tpu.wait_indirect_dma semaphore(%arg16 : memref<!tpu.dma_semaphore, #tpu.memory_space<semaphore_mem>>) src(%arg9 : memref<128x128xf32, #tpu.memory_space<vmem>>) dst(%dma_wait3A_110 : memref<10112x128xf32, #tpu.memory_space<vmem_shared>>)
      %add3A_111 = arith.constant 3 : i32
      %add3A_112 = arith.addi %add3A_33, %add3A_111 : i32
      %lt3A_113 = arith.constant 80 : i32
      %lt3A_114 = arith.cmpi slt, %add3A_112, %lt3A_113 : i32
      %convert_element_type3A_115 = arith.extui %lt3A_114 : i1 to i32
      %cond3A_116 = arith.constant 0 : i32
      %cond3A_117 = arith.cmpi ne, %convert_element_type3A_115, %cond3A_116 : i32
      scf.if %cond3A_117 {
        %add3A_118 = arith.constant 3 : i32
        %add3A_119 = arith.addi %add3A_33, %add3A_118 : i32
        %dma_start3A_120 = arith.constant 0 : i32
        %dma_start3A_121 = arith.constant 0 : i32
        %dma_start3A_122 = tpu.memref_slice %arg3[%add3A, %add3A_119, %dma_start3A_120, %dma_start3A_121] : memref<32x80x2x128xi32, #tpu.memory_space<hbm>> -> memref<1x1x2x128xi32, #tpu.memory_space<hbm>>
        %dma_start3A_123 = tpu.memref_squeeze %dma_start3A_122 : memref<1x1x2x128xi32, #tpu.memory_space<hbm>> -> memref<2x128xi32, #tpu.memory_space<hbm>>
        %dma_start3A_124 = arith.constant 0 : i32
        %dma_start3A_125 = arith.constant 0 : i32
        %dma_start3A_126 = tpu.memref_slice %arg3[%add3A, %add3A_119, %dma_start3A_124, %dma_start3A_125] : memref<32x80x2x128xi32, #tpu.memory_space<hbm>> -> memref<1x1x2x128xi32, #tpu.memory_space<hbm>>
        %dma_start3A_127 = tpu.memref_squeeze %dma_start3A_126 : memref<1x1x2x128xi32, #tpu.memory_space<hbm>> -> memref<2x128xi32, #tpu.memory_space<hbm>>
        tpu.enqueue_dma source(%dma_start3A_127 : memref<2x128xi32, #tpu.memory_space<hbm>>) target(%arg7 : memref<2x128xi32, #tpu.memory_space<vmem>>) target_semaphore(%arg12 : memref<!tpu.dma_semaphore, #tpu.memory_space<semaphore_mem>>)
      } else {
      }
    }
    %scan3A_23 = arith.constant 40 : i32
    %barrier3A_24 = arith.constant 0 : index
    tpu.barrier barrier_id(%barrier3A_24)
    %mul3A_25 = arith.constant 632 : i32
    %mul3A_26 = arith.muli %arg1, %mul3A_25 : i32
    %mul3A_27 = arith.constant 632 : i32
    %mul3A_28 = arith.muli %arg1, %mul3A_27 : i32
    "tpu.region"() ({
      %run_scoped3A = tpu.sem_alloc : memref<!tpu.dma_semaphore, #tpu.memory_space<semaphore_mem>>
      %dma_start3A_29 = arith.constant 0 : i32
      %dma_start3A_30 = tpu.memref_slice %arg5[%arg0, %mul3A_28, %dma_start3A_29] : memref<2x10112x128xf32, #tpu.memory_space<hbm>> -> memref<1x632x128xf32, #tpu.memory_space<hbm>>
      %dma_start3A_31 = tpu.memref_squeeze %dma_start3A_30 : memref<1x632x128xf32, #tpu.memory_space<hbm>> -> memref<632x128xf32, #tpu.memory_space<hbm>>
      %dma_start3A_32 = arith.constant 0 : i32
      %dma_start3A_33 = tpu.memref_slice %arg10[%mul3A_26, %dma_start3A_32] : memref<10112x128xf32, #tpu.memory_space<vmem_shared>> -> memref<632x128xf32, #tpu.memory_space<vmem_shared>>
      tpu.enqueue_dma source(%dma_start3A_33 : memref<632x128xf32, #tpu.memory_space<vmem_shared>>) target(%dma_start3A_31 : memref<632x128xf32, #tpu.memory_space<hbm>>) target_semaphore(%run_scoped3A : memref<!tpu.dma_semaphore, #tpu.memory_space<semaphore_mem>>)
      %dma_wait3A = arith.constant 0 : i32
      %dma_wait3A_34 = tpu.memref_slice %arg5[%arg0, %mul3A_28, %dma_wait3A] : memref<2x10112x128xf32, #tpu.memory_space<hbm>> -> memref<1x632x128xf32, #tpu.memory_space<hbm>>
      %dma_wait3A_35 = tpu.memref_squeeze %dma_wait3A_34 : memref<1x632x128xf32, #tpu.memory_space<hbm>> -> memref<632x128xf32, #tpu.memory_space<hbm>>
      %dma_wait3A_36 = arith.constant 0 : i32
      %dma_wait3A_37 = tpu.memref_slice %arg10[%mul3A_26, %dma_wait3A_36] : memref<10112x128xf32, #tpu.memory_space<vmem_shared>> -> memref<632x128xf32, #tpu.memory_space<vmem_shared>>
      tpu.wait_dma2 semaphore(%run_scoped3A : memref<!tpu.dma_semaphore, #tpu.memory_space<semaphore_mem>>) src(%dma_wait3A_37 : memref<632x128xf32, #tpu.memory_space<vmem_shared>>) dst(%dma_wait3A_35 : memref<632x128xf32, #tpu.memory_space<hbm>>)
      tpu.yield
    }) : () -> ()
    return
  }
}

module attributes {stable_mosaic.version = 14 : i64} {
  func.func @_mm_body(%arg0: i32, %arg1: memref<2000x128xf32, #tpu.memory_space<vmem>>, %arg2: memref<128x128xf32, #tpu.memory_space<vmem>>, %arg3: memref<2000x128xf32, #tpu.memory_space<vmem>>) attributes {dimension_semantics = [#tpu.dimension_semantics<arbitrary>], iteration_bounds = array<i64: 5>, scalar_prefetch = 0 : i64, scratch_operands = 0 : i64, tpu.core_type = #tpu.core_type<tc>, window_params = [{transform_indices = @transform_0, window_bounds = array<i64: 2000, 128>}, {pipeline_mode = #tpu.pipeline_mode<synchronous>, transform_indices = @transform_1, window_bounds = array<i64: 128, 128>}, {transform_indices = @transform_2, window_bounds = array<i64: 2000, 128>}]} {
    %get3A = arith.constant 0 : index
    %get3A_0 = arith.constant 0 : index
    %get3A_1 = vector.load %arg1[%get3A, %get3A_0] : memref<2000x128xf32, #tpu.memory_space<vmem>>, vector<2000x128xf32>
    %get3A_2 = arith.constant 0 : index
    %get3A_3 = arith.constant 0 : index
    %get3A_4 = vector.load %arg2[%get3A_2, %get3A_3] : memref<128x128xf32, #tpu.memory_space<vmem>>, vector<128x128xf32>
    %dot_general3A = arith.constant dense<0.000000e+00> : vector<2000x128xf32>
    %dot_general3A_5 = tpu.matmul %get3A_1, %get3A_4, %dot_general3A {dimension_numbers = #tpu.dot_dimension_numbers<[1], [0], [0], [1], [0, 0, 1, 1], [], []>, precision = #tpu.contract_precision<fp32>, transpose_lhs_hint = false} : vector<2000x128xf32>, vector<128x128xf32>, vector<2000x128xf32> -> vector<2000x128xf32>
    %swap3A = arith.constant 0 : index
    %swap3A_6 = arith.constant 0 : index
    %swap3A_7 = vector.load %arg3[%swap3A, %swap3A_6] : memref<2000x128xf32, #tpu.memory_space<vmem>>, vector<2000x128xf32>
    tpu.vector_store %arg3[%swap3A, %swap3A_6], %dot_general3A_5 {strides = array<i32>} : memref<2000x128xf32, #tpu.memory_space<vmem>>, vector<2000x128xf32>,
    return
  }
  func.func @transform_0(%arg0: i32) -> (i32, i32) {
    %c0_i32 = arith.constant 0 : i32
    %c0_i32_0 = arith.constant 0 : i32
    return %arg0, %c0_i32 : i32, i32
  }
  func.func @transform_1(%arg0: i32) -> (i32, i32) {
    %c0_i32 = arith.constant 0 : i32
    %c0_i32_0 = arith.constant 0 : i32
    %c0_i32_1 = arith.constant 0 : i32
    return %c0_i32, %c0_i32_0 : i32, i32
  }
  func.func @transform_2(%arg0: i32) -> (i32, i32) {
    %c0_i32 = arith.constant 0 : i32
    %c0_i32_0 = arith.constant 0 : i32
    return %arg0, %c0_i32 : i32, i32
  }
}

module attributes {stable_mosaic.version = 14 : i64} {
  func.func @_mid_body(%arg0: i32, %arg1: memref<2x2000x128xf32, #tpu.memory_space<vmem>>, %arg2: memref<1x128xf32, #tpu.memory_space<vmem>>, %arg3: memref<128x128xf32, #tpu.memory_space<vmem>>, %arg4: memref<2000x128xf32, #tpu.memory_space<vmem>>) attributes {dimension_semantics = [#tpu.dimension_semantics<arbitrary>], iteration_bounds = array<i64: 5>, scalar_prefetch = 0 : i64, scratch_operands = 0 : i64, tpu.core_type = #tpu.core_type<tc>, window_params = [{transform_indices = @transform_0, window_bounds = array<i64: 2, 2000, 128>}, {pipeline_mode = #tpu.pipeline_mode<synchronous>, transform_indices = @transform_1, window_bounds = array<i64: 1, 128>}, {pipeline_mode = #tpu.pipeline_mode<synchronous>, transform_indices = @transform_2, window_bounds = array<i64: 128, 128>}, {transform_indices = @transform_3, window_bounds = array<i64: 2000, 128>}]} {
    %get3A = arith.constant 0 : index
    %get3A_0 = arith.constant 0 : index
    %get3A_1 = arith.constant 0 : index
    %get3A_2 = vector.load %arg1[%get3A, %get3A_0, %get3A_1] : memref<2x2000x128xf32, #tpu.memory_space<vmem>>, vector<1x2000x128xf32>
    %get3A_3 = vector.shape_cast %get3A_2 : vector<1x2000x128xf32> to vector<2000x128xf32>
    %get3A_4 = arith.constant 1 : index
    %get3A_5 = arith.constant 0 : index
    %get3A_6 = arith.constant 0 : index
    %get3A_7 = vector.load %arg1[%get3A_4, %get3A_5, %get3A_6] : memref<2x2000x128xf32, #tpu.memory_space<vmem>>, vector<1x2000x128xf32>
    %get3A_8 = vector.shape_cast %get3A_7 : vector<1x2000x128xf32> to vector<2000x128xf32>
    %add3A = arith.addf %get3A_3, %get3A_8 : vector<2000x128xf32>
    %get3A_9 = arith.constant 0 : index
    %get3A_10 = arith.constant 0 : index
    %get3A_11 = vector.load %arg2[%get3A_9, %get3A_10] : memref<1x128xf32, #tpu.memory_space<vmem>>, vector<1x128xf32>
    %add3A_12 = vector.broadcast %get3A_11 : vector<1x128xf32> to vector<2000x128xf32>
    %add3A_13 = arith.addf %add3A, %add3A_12 : vector<2000x128xf32>
    %max3A = arith.constant 0.000000e+00 : f32
    %max3A_14 = vector.broadcast %max3A : f32 to vector<2000x128xf32>
    %max3A_15 = arith.maximumf %add3A_13, %max3A_14 : vector<2000x128xf32>
    %get3A_16 = arith.constant 0 : index
    %get3A_17 = arith.constant 0 : index
    %get3A_18 = vector.load %arg3[%get3A_16, %get3A_17] : memref<128x128xf32, #tpu.memory_space<vmem>>, vector<128x128xf32>
    %dot_general3A = arith.constant dense<0.000000e+00> : vector<2000x128xf32>
    %dot_general3A_19 = tpu.matmul %max3A_15, %get3A_18, %dot_general3A {dimension_numbers = #tpu.dot_dimension_numbers<[1], [0], [0], [1], [0, 0, 1, 1], [], []>, precision = #tpu.contract_precision<fp32>, transpose_lhs_hint = false} : vector<2000x128xf32>, vector<128x128xf32>, vector<2000x128xf32> -> vector<2000x128xf32>
    %swap3A = arith.constant 0 : index
    %swap3A_20 = arith.constant 0 : index
    %swap3A_21 = vector.load %arg4[%swap3A, %swap3A_20] : memref<2000x128xf32, #tpu.memory_space<vmem>>, vector<2000x128xf32>
    tpu.vector_store %arg4[%swap3A, %swap3A_20], %dot_general3A_19 {strides = array<i32>} : memref<2000x128xf32, #tpu.memory_space<vmem>>, vector<2000x128xf32>,
    return
  }
  func.func @transform_0(%arg0: i32) -> (i32, i32, i32) {
    %c0_i32 = arith.constant 0 : i32
    %c0_i32_0 = arith.constant 0 : i32
    %c0_i32_1 = arith.constant 0 : i32
    return %c0_i32, %arg0, %c0_i32_0 : i32, i32, i32
  }
  func.func @transform_1(%arg0: i32) -> (i32, i32) {
    %c0_i32 = arith.constant 0 : i32
    %c0_i32_0 = arith.constant 0 : i32
    %c0_i32_1 = arith.constant 0 : i32
    return %c0_i32, %c0_i32_0 : i32, i32
  }
  func.func @transform_2(%arg0: i32) -> (i32, i32) {
    %c0_i32 = arith.constant 0 : i32
    %c0_i32_0 = arith.constant 0 : i32
    %c0_i32_1 = arith.constant 0 : i32
    return %c0_i32, %c0_i32_0 : i32, i32
  }
  func.func @transform_3(%arg0: i32) -> (i32, i32) {
    %c0_i32 = arith.constant 0 : i32
    %c0_i32_0 = arith.constant 0 : i32
    return %arg0, %c0_i32 : i32, i32
  }
}

module attributes {stable_mosaic.version = 14 : i64} {
  func.func @_final_body(%arg0: i32, %arg1: memref<2x2000x128xf32, #tpu.memory_space<vmem>>, %arg2: memref<1x128xf32, #tpu.memory_space<vmem>>, %arg3: memref<2000x128xf32, #tpu.memory_space<vmem>>) attributes {dimension_semantics = [#tpu.dimension_semantics<arbitrary>], iteration_bounds = array<i64: 5>, scalar_prefetch = 0 : i64, scratch_operands = 0 : i64, tpu.core_type = #tpu.core_type<tc>, window_params = [{transform_indices = @transform_0, window_bounds = array<i64: 2, 2000, 128>}, {pipeline_mode = #tpu.pipeline_mode<synchronous>, transform_indices = @transform_1, window_bounds = array<i64: 1, 128>}, {transform_indices = @transform_2, window_bounds = array<i64: 2000, 128>}]} {
    %get3A = arith.constant 0 : index
    %get3A_0 = arith.constant 0 : index
    %get3A_1 = arith.constant 0 : index
    %get3A_2 = vector.load %arg1[%get3A, %get3A_0, %get3A_1] : memref<2x2000x128xf32, #tpu.memory_space<vmem>>, vector<1x2000x128xf32>
    %get3A_3 = vector.shape_cast %get3A_2 : vector<1x2000x128xf32> to vector<2000x128xf32>
    %get3A_4 = arith.constant 1 : index
    %get3A_5 = arith.constant 0 : index
    %get3A_6 = arith.constant 0 : index
    %get3A_7 = vector.load %arg1[%get3A_4, %get3A_5, %get3A_6] : memref<2x2000x128xf32, #tpu.memory_space<vmem>>, vector<1x2000x128xf32>
    %get3A_8 = vector.shape_cast %get3A_7 : vector<1x2000x128xf32> to vector<2000x128xf32>
    %add3A = arith.addf %get3A_3, %get3A_8 : vector<2000x128xf32>
    %get3A_9 = arith.constant 0 : index
    %get3A_10 = arith.constant 0 : index
    %get3A_11 = vector.load %arg2[%get3A_9, %get3A_10] : memref<1x128xf32, #tpu.memory_space<vmem>>, vector<1x128xf32>
    %add3A_12 = vector.broadcast %get3A_11 : vector<1x128xf32> to vector<2000x128xf32>
    %add3A_13 = arith.addf %add3A, %add3A_12 : vector<2000x128xf32>
    %reduce_max3A = arith.constant dense<0xFF800000> : vector<2000xf32>
    %reduce_max3A_14 = vector.multi_reduction <maximumf>, %add3A_13, %reduce_max3A [1] : vector<2000x128xf32> to vector<2000xf32>
    %broadcast_in_dim3A = vector.shape_cast %reduce_max3A_14 : vector<2000xf32> to vector<2000x1xf32>
    %sub3A = vector.broadcast %broadcast_in_dim3A : vector<2000x1xf32> to vector<2000x128xf32>
    %sub3A_15 = arith.subf %add3A_13, %sub3A : vector<2000x128xf32>
    %exp3A = math.exp %sub3A_15 : vector<2000x128xf32>
    %reduce_sum3A = arith.constant dense<0.000000e+00> : vector<2000xf32>
    %reduce_sum3A_16 = vector.multi_reduction <add>, %exp3A, %reduce_sum3A [1] : vector<2000x128xf32> to vector<2000xf32>
    %broadcast_in_dim3A_17 = vector.shape_cast %reduce_sum3A_16 : vector<2000xf32> to vector<2000x1xf32>
    %log3A = math.log %broadcast_in_dim3A_17 : vector<2000x1xf32>
    %sub3A_18 = vector.broadcast %log3A : vector<2000x1xf32> to vector<2000x128xf32>
    %sub3A_19 = arith.subf %sub3A_15, %sub3A_18 : vector<2000x128xf32>
    %swap3A = arith.constant 0 : index
    %swap3A_20 = arith.constant 0 : index
    %swap3A_21 = vector.load %arg3[%swap3A, %swap3A_20] : memref<2000x128xf32, #tpu.memory_space<vmem>>, vector<2000x128xf32>
    tpu.vector_store %arg3[%swap3A, %swap3A_20], %sub3A_19 {strides = array<i32>} : memref<2000x128xf32, #tpu.memory_space<vmem>>, vector<2000x128xf32>,
    return
  }
  func.func @transform_0(%arg0: i32) -> (i32, i32, i32) {
    %c0_i32 = arith.constant 0 : i32
    %c0_i32_0 = arith.constant 0 : i32
    %c0_i32_1 = arith.constant 0 : i32
    return %c0_i32, %arg0, %c0_i32_0 : i32, i32, i32
  }
  func.func @transform_1(%arg0: i32) -> (i32, i32) {
    %c0_i32 = arith.constant 0 : i32
    %c0_i32_0 = arith.constant 0 : i32
    %c0_i32_1 = arith.constant 0 : i32
    return %c0_i32, %c0_i32_0 : i32, i32
  }
  func.func @transform_2(%arg0: i32) -> (i32, i32) {
    %c0_i32 = arith.constant 0 : i32
    %c0_i32_0 = arith.constant 0 : i32
    return %arg0, %c0_i32 : i32, i32
  }
}

</mosaic_0001>

<sc_bundles>
// kernel: kernel.10.cloned.1.call-start
scs
__scs_entry_jumppad:
0x0: {  	(pc) =	sbr.rel $0x88, $3  }
0x1: {  	(tag) =	ssettag $0x0;
	lr =	simm.s32 $0x1  }
0x2: {  	[smem:$0x3F9A] =	sst lr;
	_ =	strace $0xD0000000  }
0x3: {  	_ = 	snop  }
0x4: {  	_ = 	snop  }
0x5: {  	_ = 	snop  }
0x6: {  	_ = 	snop  }
0x7: {  	_ = 	snop  }
__scs_overlays_trampoline_lowered:
0x8: {  	[smem:$0x3FA9] =	sst s0  }
0x9: {  	[smem:$0x3FAA] =	sst s1  }
0xa: {  	[smem:$0x3FAB] =	sst s2  }
0xb: {  	[smem:$0x3FAC] =	sst s3  }
0xc: {  	[smem:$0x3FAD] =	sst s4  }
0xd: {  	[smem:$0x3FAE] =	sst s5  }
0xe: {  	[smem:$0x3FAF] =	sst s6  }
0xf: {  	[smem:$0x3FB0] =	sst s7  }
0x10: {  	[smem:$0x3FB1] =	sst s8  }
0x11: {  	[smem:$0x3FB2] =	sst s9;
	s0 =	simm.s32 @!p0 $0x0  }
0x12: {  	s1 =	sld [smem:$0x3F98];
	s0 =	simm.s32 @p0 $0x1  }
0x13: {  	[smem:$0x3FB3] =	sst s0;
	s0 =	simm.s32 @!p1 $0x0  }
0x14: {  	s2 =	sld [smem:$0x3F97];
	s0 =	simm.s32 @p1 $0x1  }
0x15: {  	[smem:$0x3FB4] =	sst s0;
	s0 =	simm.s32 @!p2 $0x0  }
0x16: {  	s3 =	sld [smem:$0x3FDB];
	s0 =	simm.s32 @p2 $0x1  }
0x17: {  	s4 =	simm.s32 $0x1BF5;
	[smem:$0x3FB6] =	sst s0  }
0x18: {  	s0 =	sld [smem:$0x3F99];
	_ =	swait.ge [sflag:s4], $0x0  }
0x19: {  	s7 =	sld [smem:$0x3F9A]  }
0x1a: {  	s8 =	sadd.s32 $0xFFFFE003, lr  }
0x1b: {  	s9 =	sadd.s32 $0xFFFFFEF7, lr;
	s5 =	simm.s32 $0xFFFFFFFF;
	p2 =	slt.u32 s8, $0xFFFFF086  }
0x1c: {  	p1 =	slt.u32 s9, $0xF7A;
	s5 =	simm.s32 @!p2 $0x0  }
0x1d: {  	s5 =	simm.s32 @p1 $0x1;
	p0 =	seq.s32 s7, s2  }
0x1e: {  	s7 =	smul.u32 @!p0 $0xF7A, s2;
	p2 =	seq.s32 @!p0 s5, $0x0  }
0x1f: {  	s9 =	smul.u32 $0xF7A, s1;
	s8 =	simm.s32 @!p0 $0x1BF5;
	p2 =	por !p2, p0  }
0x20: {  	[sflag:s8] =	ssyncset.s32 @!p0 $0xFFFFF086;
	s6 =	sadd.s32 @!p0 s3, s7;
	s7 =	simm.s32 @!p0 $0x108  }
0x21: {  	s3 =	sadd.s32 s3, s9;
	s6 =	sadd.s32 @!p0 $0x88, s6;
	s7 =	simm.s32 @p2 $0x1082  }
0x22: {  	[simem:s7], [sflag:s8] =	dma.local @!p0 [hbm:s6], $0xF7A  }
0x23: {  	s9 =	sor.u32 $0xD0000000, s2;
	s6 =	simm.s32 $0x108;
	_ =	swait.ge @!p0 [sflag:s8], $0x0  }
0x24: {  	s3 =	sadd.s32 $0x88, s3;
	s6 =	simm.s32 @!p1 $0x1082;
	[sflag:s4] =	ssyncset.s32 $0xFFFFF086  }
0x25: {  	[simem:s6], [sflag:s4] =	dma.local [hbm:s3], $0xF7A  }
0x26: {  	[smem:$0x3F9A] =	sst s1;
	(tag) =	ssettag s2;
	_ =	strace s9  }
0x27: {  	s1 =	sld [smem:$0x3FAA]  }
0x28: {  	s2 =	sld [smem:$0x3FAB]  }
0x29: {  	s4 =	sld [smem:$0x3FAD]  }
0x2a: {  	p0 =	seq.s32 s5, $0x0;
	s5 =	sld [smem:$0x3FAE]  }
0x2b: {  	s6 =	sld [smem:$0x3FAF]  }
0x2c: {  	s7 =	sld [smem:$0x3FB0]  }
0x2d: {  	s3 =	simm.s32 $0x108;
	s8 =	sld [smem:$0x3FB1]  }
0x2e: {  	s3 =	simm.s32 @!p0 $0x1082;
	s9 =	sld [smem:$0x3FB2]  }
0x2f: {  	lr =	sadd.s32 s0, s3;
	s0 =	sld [smem:$0x3FA9]  }
0x30: {  	s3 =	sld [smem:$0x3FAC]  }
0x31: {  	[smem:$0x3FB5] =	sst s10  }
0x32: {  	s10 =	sld [smem:$0x3FB3];
	_ =	sdelay $0x3  }
0x33: {  	p0 =	seq.s32 s10, $0x1;
	s10 =	sld [smem:$0x3FB5];
	_ =	sdelay $0x3  }
0x34: {  	[smem:$0x3FB5] =	sst s10  }
0x35: {  	s10 =	sld [smem:$0x3FB4];
	_ =	sdelay $0x3  }
0x36: {  	p1 =	seq.s32 s10, $0x1;
	s10 =	sld [smem:$0x3FB5];
	_ =	sdelay $0x3  }
0x37: {  	[smem:$0x3FB5] =	sst s10  }
0x38: {  	s10 =	sld [smem:$0x3FB6]  }
0x39: {  	_ = 	snop;
	(pc) =	sbr.ind lr, $3  }
0x3a: {  	_ = 	snop  }
0x3b: {  	_ = 	snop  }
0x3c: {  	p2 =	seq.s32 s10, $0x1;
	s10 =	sld [smem:$0x3FB5]  }
0x3d: {  	_ =	shalt  }
0x3e: {  	_ =	shalt  }
0x3f: {  	_ =	shalt  }
0x40: {  	_ =	shalt  }
0x41: {  	_ =	shalt  }
0x42: {  	_ =	shalt  }
0x43: {  	_ =	shalt  }
0x44: {  	_ =	shalt  }
0x45: {  	_ =	shalt  }
0x46: {  	_ =	shalt  }
0x47: {  	_ =	shalt  }
0x48: {  	_ =	shalt  }
0x49: {  	_ =	shalt  }
0x4a: {  	_ =	shalt  }
0x4b: {  	_ =	shalt  }
0x4c: {  	_ =	shalt  }
0x4d: {  	_ =	shalt  }
0x4e: {  	_ =	shalt  }
0x4f: {  	_ =	shalt  }
0x50: {  	_ =	shalt  }
0x51: {  	_ =	shalt  }
0x52: {  	_ =	shalt  }
0x53: {  	_ =	shalt  }
0x54: {  	_ =	shalt  }
0x55: {  	_ =	shalt  }
0x56: {  	_ =	shalt  }
0x57: {  	_ =	shalt  }
0x58: {  	_ =	shalt  }
0x59: {  	_ =	shalt  }
0x5a: {  	_ =	shalt  }
0x5b: {  	_ =	shalt  }
0x5c: {  	_ =	shalt  }
0x5d: {  	_ =	shalt  }
0x5e: {  	_ =	shalt  }
0x5f: {  	_ =	shalt  }
0x60: {  	_ =	shalt  }
0x61: {  	_ =	shalt  }
0x62: {  	_ =	shalt  }
0x63: {  	_ =	shalt  }
0x64: {  	_ =	shalt  }
0x65: {  	_ =	shalt  }
0x66: {  	_ =	shalt  }
0x67: {  	_ =	shalt  }
0x68: {  	_ =	shalt  }
0x69: {  	_ =	shalt  }
0x6a: {  	_ =	shalt  }
0x6b: {  	_ =	shalt  }
0x6c: {  	_ =	shalt  }
0x6d: {  	_ =	shalt  }
0x6e: {  	_ =	shalt  }
0x6f: {  	_ =	shalt  }
0x70: {  	_ =	shalt  }
0x71: {  	_ =	shalt  }
0x72: {  	_ =	shalt  }
0x73: {  	_ =	shalt  }
0x74: {  	_ =	shalt  }
0x75: {  	_ =	shalt  }
0x76: {  	_ =	shalt  }
0x77: {  	_ =	shalt  }
0x78: {  	_ =	shalt  }
0x79: {  	_ =	shalt  }
0x7a: {  	_ =	shalt  }
0x7b: {  	_ =	shalt  }
0x7c: {  	_ =	shalt  }
0x7d: {  	_ =	shalt  }
0x7e: {  	_ =	shalt  }
0x7f: {  	_ =	shalt  }
0x80: {  	_ =	shalt  }
0x81: {  	_ =	shalt  }
0x82: {  	_ =	shalt  }
0x83: {  	_ =	shalt  }
0x84: {  	_ =	shalt  }
0x85: {  	_ =	shalt  }
0x86: {  	_ =	shalt  }
0x87: {  	_ =	shalt  }
.Lfunc_end0:
.L_simem_size_0:
called_computation.1_lowered:
.L_overlay_start_0:
0x88: {  	s2 =	sld [smem:$0x3FD9]  }
0x89: {  	s3 =	sld [smem:$0x3FFE];
	_ =	sdelay $0x1  }
0x8a: {  	s1 =	srdreg.scid  }
0x8b: {  	s0 =	sand.u32 $0x1, s1  }
0x8c: {  	s17 =	sshll.u32 s0, $0xA;
	s2 =	sadd.s32 s3, s2  }
0x8d: {  	s2 =	sadd.s32 s2, s17  }
0x8e: {  	[smem:$0x3FC1] =	sst s2  }
0x8f: {  	_ = 	snop  }
0x90: {  	s2 =	sld [smem:$0x3FD0];
	(tm) =	ssettm $0x1  }
0x91: {  	s18 =	sld [smem:$0x3FFB];
	_ =	sdelay $0x3  }
0x92: {  	_ =	strace s18  }
0x93: {  	s3 =	sld [smem:$0x3FFC];
	_ =	sdelay $0x3  }
0x94: {  	_ =	strace s3  }
0x95: {  	s3 =	sld [smem:$0x3FFD];
	_ =	sdelay $0x3  }
0x96: {  	_ =	strace s3  }
0x97: {  	_ =	strace $0x8FFFFFFF  }
0x98: {  	s19 =	sld [smem:$0x3FDB];
	_ =	sdelay $0x1  }
0x99: {  	s4 =	simm.s32 $_scs_section_size  }
0x9a: {  	s5 =	simm.s32 $_size__tile_overlayer_lowered;
	s6 =	simm.s32 $_tile_overlayer_lowered  }
0x9b: {  	s22 =	simm.s32 $0x1BFF;
	s21 =	sshll.u32 s6, $0x1;
	s3 =	sadd.s32 s4, s19  }
0x9c: {  	s7 =	simm.s32 $0x0;
	s20 =	sshll.u32 s5, $0x1;
	s5 =	sadd.s32 s21, s3  }
0x9d: {  	[timem:s7], [sflag:s22] =	dma.local [hbm:s5], s20  }
0x9e: {  	_ =	swait.ge [sflag:s22], s20  }
0x9f: {  	s4 =	ssub.s32 $0x0, s20;
	[sflag:s22] =	ssyncset.done $0x0  }
0xa0: {  	[sflag:s22] =	ssyncadd.s32 s4;
	_ =	sdelay $0x1  }
0xa1: {  	s23 =	simm.s32 $0x1B8B  }
0xa2: {  	_ =	swait.ge [sflag:s23], $0x1  }
0xa3: {  	[sflag:s23] =	ssyncset.done $0x0  }
0xa4: {  	s25 =	simm.s32 $0x1B8E;
	s24 =	sld [smem:$0x3FFE];
	[sflag:s23] =	ssyncadd.s32 $0xFFFFFFFF  }
0xa5: {  	s26 =	simm.s32 $execute0_lowered;
	[smem:$0x3FD2] =	sst s25  }
0xa6: {  	s5 =	sshll.u32 s26, $0x1;
	_ =	strace $0x80000049;
	[dreg:$0x1] =	wrdreg $0xFFFFFFFF  }
0xa7: {  	s28 =	simm.s32 $_size_execute0_lowered;
	s3 =	sadd.s32 s3, s5;
	[dreg:$0x0] =	wrdreg $0x0  }
0xa8: {  	s5 =	sshll.u32 s28, $0x1;
	[dreg:$0x2] =	wrdreg s3  }
0xa9: {  	[dreg:$0x3] =	wrdreg s5  }
0xaa: {  	[dreg:$0x4] =	wrdreg $0xC0  }
0xab: {  	_ =	task [dreg:s7], $0x5FFFF  }
0xac: {  	[dreg:$0x1] =	wrdreg $0xFFFFFFFF  }
0xad: {  	[dreg:$0x0] =	wrdreg $0x60  }
0xae: {  	[dreg:$0x2] =	wrdreg s2  }
0xaf: {  	[dreg:$0x3] =	wrdreg s24  }
0xb0: {  	[dreg:$0x4] =	wrdreg $0x82000  }
0xb1: {  	[dreg:$0x5] =	wrdreg $0x9  }
0xb2: {  	_ =	task.clear_ibuf [dreg:s7], $0x6FFFF;
	_ =	strace $0x90000049  }
0xb3: {  	s29 =	simm.s32 $0x9;
	_ =	strace $0x8000004B  }
0xb4: {  	_ =	swait.ge [sflag:s29], $0x1  }
0xb5: {  	[sflag:s29] =	ssyncadd.s32 $0xFFFFFFFF  }
0xb6: {  	_ =	strace $0x9000004B  }
0xb7: {  	_ =	sfence  }
0xb8: {  	s30 =	sld [smem:$0x0];
	_ =	sdelay $0x2  }
0xb9: {  	s31 =	sshll.u32 s1, $0xD;
	s1 =	sshrl.u32 s1, $0x2  }
0xba: {  	s3 =	sand.u32 $0x4000, s31;
	s1 =	sadd.s32 s1, s30  }
0xbb: {  	s0 =	sor.u32 s3, s0;
	s1 =	sshll.u32 s1, $0x11  }
0xbc: {  	s0 =	sor.u32 s1, s0  }
0xbd: {  	s0 =	sadd.s32 $0x8F2B, s0  }
0xbe: {  	[sflag:s0] =	ssyncadd.remote.s32 $0x1  }
0xbf: {  	_ =	sfence.sel $0xFFFF  }
0xc0: {  	[dreg:$0x0] =	wrdreg $0xFFFFFFFF;
	(pc) =	sbr.abs _section_cstart, $3  }
0xc1: {  	[dreg:$0x1] =	wrdreg $0xFFFFFFFF  }
0xc2: {  	_ =	task.clear_ibuf [dreg:s7], $0x2FFFF;
	_ =	strace $0x9FFFFFFF  }
0xc3: {  	(tm) =	ssettm $0x7FFFFFFF  }
tec
execute0_lowered:
.L_overlay_start_1:
0x0: {  	(tag) =	ssettag $0x1  }
0x1: {  	s1 =	rddreg [dreg:$0x0]  }
0x2: {  	s6 =	rddreg [dreg:$0x1]  }
0x3: {  	s2 =	rddreg [dreg:$0x2]  }
0x4: {  	s3 =	srdreg.scid;
	s0 =	rddreg [dreg:$0x3]  }
0x5: {  	s4 =	simm.s32 $0x0;
	s16 =	simm.s32 $0x1;
	s17 =	simm.s32 $0x80  }
0x6: {  	s18 =	simm.s32 $0x200;
	s19 =	simm.s32 $0x2;
	s7 =	sand.u32 $0x1, s3  }
0x7: {  	s20 =	simm.s32 $0x4200;
	s3 =	stileid.u32;
	s5 =	smul.u32 $0x13C000, s7  }
0x8: {  	s21 =	simm.s32 $0x3;
	s22 =	simm.s32 $0x4;
	s8 =	smul.u32 $0x13C00, s3  }
0x9: {  	s23 =	simm.s32 $0x180;
	[smem:$0x7FF] =	sst s4;
	s10 =	smul.u32 $0x4F000, s3  }
0xa: {  	s9 =	sshll.u32 s7, $0x4;
	s24 =	ssub.s32 $0x2, s7;
	s7 =	smul.u32 $0x50000, s7  }
0xb: {  	s12 =	sadd.s32 $0x66800, s6;
	_ =	strace $0x8000004A;
	s13 =	smul.u32 $0x5000, s3  }
0xc: {  	s28 =	sshll.u32 s3, $0x6;
	s9 =	sor.u32 s3, s9;
	s25 =	sshrl.u32 s24, $0x1  }
0xd: {  	s8 =	sadd.s32 s8, s5;
	s5 =	sadd.s32 $0x15000, s6;
	s9 =	smul.u32 $0x5000, s9  }
0xe: {  	s10 =	sshrl.u32 s10, $0x2;
	s14 =	ssub.s32 s24, s25;
	s29 =	sadd.s32 s13, s7  }
0xf: {  	s7 =	sor.u32 $0x1C07, s28;
	s24 =	simm.s32 $0x5;
	s25 =	simm.s32 $0x6  }
0x10: {  	s8 =	sshrl.u32 s8, $0x3;
	s15 =	sadd.s32 s10, s2;
	s13 =	sor.u32 $0x300, s29  }
0x11: {  	s31 =	sor.u32 $0x200, s29;
	s10 =	smax.u32 s14, $0x1;
	s14 =	simm.s32 $0x7  }
0x12: {  	s11 =	sadd.s32 s8, s6;
	s26 =	sshrl.u32 s9, $0x3;
	s30 =	sshrl.u32 s13, $0x3  }
0x13: {  	s13 =	sshrl.u32 s31, $0x3;
	s6 =	sadd.s32 s12, s26;
	s9 =	sadd.s32 $0x17800, s11  }
0x14: {  	s11 =	sadd.s32 s30, s12;
	s12 =	sadd.s32 s13, s12;
	s13 =	sshrl.u32 s15, $0x3  }
0x15: {  	s15 =	simm.s32 $0x100;
	s26 =	simm.s32 $0x0;
	s8 =	sadd.s32 $0x20, s6  }
.LBB2_1:
0x16: {  	[spmem:s13], [sflag:s7] =	dma.local [hbm:s5], $0x2780  }
0x17: {  	_ =	swait.ge [sflag:s14], $0x2780  }
0x18: {  	[sflag:s14] =	ssyncset.done $0x0  }
0x19: {  	[sflag:s14] =	ssyncadd.s32 $0xFFFFD880  }
0x1a: {  	[tilespmem:s4], [sflag:$0x1] =	stream.linear.gather [hbm4b:s6+s4], $0x100, $0x38;
	[tilespmem:$0x1BE00] =	vst v63  }
0x1b: {  	_ = 	snop  }
0x1c: {  	[tilespmem:s15], [sflag:$0x2] =	stream.linear.gather [hbm4b:s8+s4], $0x100, $0x38;
	[tilespmem:$0x1BE00] =	vst v63  }
0x1d: {  	[bflag:$0x0] =	sbarrier.arrive $0xFFFF  }
0x1e: {  	_ =	swait.ge [sflag:s16], $0x100  }
0x1f: {  	[sflag:s16] =	ssyncset.done $0x0  }
0x20: {  	[sflag:s16] =	ssyncadd.s32 $0xFFFFFF00  }
0x21: {  	[tilespmem:s18], [sflag:$0x3] =	stream.indirect.gather [hbm4b:s1+s17], $0x80, s4, s17, $0xb8;
	[tilespmem:$0x1BE00] =	vst v63  }
0x22: {  	_ =	swait.ge [sflag:s19], $0x100  }
0x23: {  	[sflag:s19] =	ssyncset.done $0x0  }
0x24: {  	[sflag:s19] =	ssyncadd.s32 $0xFFFFFF00  }
0x25: {  	[tilespmem:s20], [sflag:$0x4] =	stream.indirect.gather [hbm4b:s1+s17], $0x80, s15, s17, $0xb8;
	[tilespmem:$0x1BE00] =	vst v63  }
0x26: {  	_ =	swait.ge [sflag:s21], $0x4000  }
0x27: {  	[sflag:s21] =	ssyncset.done $0x0  }
0x28: {  	[sflag:s21] =	ssyncadd.s32 $0xFFFFC000  }
0x29: {  	[spmem:s2] =	stream.indirect.scatter.add.f32 [tilespmem:s18], [sflag:$0x5], $0x80, s17, s17, $0xb8;
	[tilespmem:$0x1BE00] =	vst v63  }
0x2a: {  	_ =	swait.ge [sflag:s22], $0x4000  }
0x2b: {  	[sflag:s22] =	ssyncset.done $0x0  }
0x2c: {  	[sflag:s22] =	ssyncadd.s32 $0xFFFFC000  }
0x2d: {  	[spmem:s2] =	stream.indirect.scatter.add.f32 [tilespmem:s20], [sflag:$0x6], $0x80, s23, s17, $0xb8;
	[tilespmem:$0x1BE00] =	vst v63  }
0x2e: {  	_ =	swait.ge [sflag:s24], $0x4000  }
0x2f: {  	[sflag:s24] =	ssyncset.done $0x0  }
0x30: {  	s28 =	sadd.s32 $0x0, s12;
	[sflag:s24] =	ssyncadd.s32 $0xFFFFC000  }
0x31: {  	[tilespmem:s4], [sflag:$0x1] =	stream.linear.gather [hbm4b:s28+s4], $0x100, $0x38;
	[tilespmem:$0x1BE00] =	vst v63  }
0x32: {  	_ =	swait.ge [sflag:s25], $0x4000  }
0x33: {  	[sflag:s25] =	ssyncset.done $0x0  }
0x34: {  	s29 =	sadd.s32 $0x0, s11;
	s28 =	simm.s32 $0x40;
	[sflag:s25] =	ssyncadd.s32 $0xFFFFC000  }
.LBB2_2:
0x35: {  	[tilespmem:s15], [sflag:$0x2] =	stream.linear.gather [hbm4b:s29+s4], $0x100, $0x38;
	[tilespmem:$0x1BE00] =	vst v63  }
0x36: {  	s29 =	smov.u32 s28  }
0x37: {  	p0 =	sne.s32 s28, $0x980;
	s28 =	sadd.s32 $0x40, s28;
	_ =	swait.ge [sflag:s16], $0x100  }
0x38: {  	[sflag:s16] =	ssyncset.done $0x0  }
0x39: {  	[sflag:s16] =	ssyncadd.s32 $0xFFFFFF00  }
0x3a: {  	[tilespmem:s18], [sflag:$0x3] =	stream.indirect.gather [hbm4b:s1+s17], $0x80, s4, s17, $0xb8;
	[tilespmem:$0x1BE00] =	vst v63  }
0x3b: {  	_ =	swait.ge [sflag:s19], $0x100  }
0x3c: {  	[sflag:s19] =	ssyncset.done $0x0  }
0x3d: {  	[sflag:s19] =	ssyncadd.s32 $0xFFFFFF00  }
0x3e: {  	[tilespmem:s20], [sflag:$0x4] =	stream.indirect.gather [hbm4b:s1+s17], $0x80, s15, s17, $0xb8;
	[tilespmem:$0x1BE00] =	vst v63  }
0x3f: {  	_ =	swait.ge [sflag:s21], $0x4000  }
0x40: {  	[sflag:s21] =	ssyncset.done $0x0  }
0x41: {  	[sflag:s21] =	ssyncadd.s32 $0xFFFFC000  }
0x42: {  	[spmem:s2] =	stream.indirect.scatter.add.f32 [tilespmem:s18], [sflag:$0x5], $0x80, s17, s17, $0xb8;
	[tilespmem:$0x1BE00] =	vst v63  }
0x43: {  	_ =	swait.ge [sflag:s22], $0x4000  }
0x44: {  	[sflag:s22] =	ssyncset.done $0x0  }
0x45: {  	[sflag:s22] =	ssyncadd.s32 $0xFFFFC000  }
0x46: {  	[spmem:s2] =	stream.indirect.scatter.add.f32 [tilespmem:s20], [sflag:$0x6], $0x80, s23, s17, $0xb8;
	[tilespmem:$0x1BE00] =	vst v63  }
0x47: {  	_ =	swait.ge [sflag:s24], $0x4000  }
0x48: {  	[sflag:s24] =	ssyncset.done $0x0  }
.Ltmp0:
0x49: {  	s30 =	sadd.s32 s29, s12;
	[sflag:s24] =	ssyncadd.s32 $0xFFFFC000;
	(pc) =	sbr.rel @p0 .LBB2_2-.Ltmp0, $4  }
0x4a: {  	[tilespmem:s4], [sflag:$0x1] =	stream.linear.gather [hbm4b:s30+s4], $0x100, $0x38;
	[tilespmem:$0x1BE00] =	vst v63  }
0x4b: {  	_ =	swait.ge [sflag:s25], $0x4000  }
0x4c: {  	[sflag:s25] =	ssyncset.done $0x0  }
0x4d: {  	s29 =	sadd.s32 s29, s11;
	[sflag:s25] =	ssyncadd.s32 $0xFFFFC000  }
0x4e: {  	[tilespmem:s15], [sflag:$0x2] =	stream.linear.gather [hbm4b:s29+s4], $0x100, $0x38;
	[tilespmem:$0x1BE00] =	vst v63  }
0x4f: {  	_ =	swait.ge [sflag:s16], $0x100  }
0x50: {  	[sflag:s16] =	ssyncset.done $0x0  }
0x51: {  	[sflag:s16] =	ssyncadd.s32 $0xFFFFFF00  }
0x52: {  	[tilespmem:s18], [sflag:$0x3] =	stream.indirect.gather [hbm4b:s1+s17], $0x80, s4, s17, $0xb8;
	[tilespmem:$0x1BE00] =	vst v63  }
0x53: {  	_ =	swait.ge [sflag:s19], $0x100  }
0x54: {  	[sflag:s19] =	ssyncset.done $0x0  }
0x55: {  	[sflag:s19] =	ssyncadd.s32 $0xFFFFFF00  }
0x56: {  	[tilespmem:s20], [sflag:$0x4] =	stream.indirect.gather [hbm4b:s1+s17], $0x80, s15, s17, $0xb8;
	[tilespmem:$0x1BE00] =	vst v63  }
0x57: {  	_ =	swait.ge [sflag:s21], $0x4000  }
0x58: {  	[sflag:s21] =	ssyncset.done $0x0  }
0x59: {  	[sflag:s21] =	ssyncadd.s32 $0xFFFFC000  }
0x5a: {  	[spmem:s2] =	stream.indirect.scatter.add.f32 [tilespmem:s18], [sflag:$0x5], $0x80, s17, s17, $0xb8;
	[tilespmem:$0x1BE00] =	vst v63  }
0x5b: {  	_ =	swait.ge [sflag:s22], $0x4000  }
0x5c: {  	[sflag:s22] =	ssyncset.done $0x0  }
0x5d: {  	[sflag:s22] =	ssyncadd.s32 $0xFFFFC000  }
0x5e: {  	[spmem:s2] =	stream.indirect.scatter.add.f32 [tilespmem:s20], [sflag:$0x6], $0x80, s23, s17, $0xb8;
	[tilespmem:$0x1BE00] =	vst v63  }
0x5f: {  	_ =	swait.ge [sflag:s24], $0x4000  }
0x60: {  	[sflag:s24] =	ssyncset.done $0x0  }
0x61: {  	[sflag:s24] =	ssyncadd.s32 $0xFFFFC000  }
0x62: {  	_ =	swait.ge [sflag:s25], $0x4000  }
0x63: {  	s26 =	sadd.s32 $0x1, s26;
	[sflag:s25] =	ssyncset.done $0x0  }
0x64: {  	p0 =	sne.s32 s26, s10;
	[sflag:s25] =	ssyncadd.s32 $0xFFFFC000  }
.Ltmp1:
0x65: {  	[bflag:$0x0] =	sbarrier.arrive $0xFFFF;
	(pc) =	sbr.rel @p0 .LBB2_1-.Ltmp1, $4  }
0x66: {  	[hbm:s9], [sflag:s7] =	dma.local [spmem:s13], $0x2780  }
0x67: {  	_ =	swait.ge [sflag:s14], $0x2780  }
0x68: {  	[sflag:s14] =	ssyncset.done $0x0  }
0x69: {  	[sflag:s14] =	ssyncadd.s32 $0xFFFFD880  }
0x6a: {  	_ =	sfence.sel $0x180000  }
0x6b: {  	[bflag:$0x0] =	sbarrier.arrive $0xFFFF  }
0x6c: {  	p0 =	sne.s32 s3, $0x0;
	_ =	strace $0x9000004A  }
0x6d: {  	s0 =	sadd.s32 @!p0 $0x100000, s0;
	[bflag:$0x2] =	sbarrier.arrive $0xFFFF  }
0x6e: {  	[sflag:s0] =	ssyncadd.tile.s32 @!p0 $0x1;
	_ =	shalt  }
.Lfunc_end2:
_tile_overlayer_lowered:
.L_overlay_start_2:
0x6f: {  	(tag) =	ssettag $0x2  }
0x70: {  	s0 =	rddreg [dreg:$0x0];
	s2 =	stileid.u32  }
0x71: {  	s1 =	rddreg [dreg:$0x1];
	p0 =	sne.s32 s2, $0x0  }
0x72: {  	s3 =	rddreg [dreg:$0x2];
	[bflag:$0x3] =	sbarrier.arrive $0xFFFF;
	s2 =	simm.s32 @!p0 $0x1C07  }
0x73: {  	[timem:s3], [sflag:s2] =	dma.local @!p0 [hbm:s0], s1  }
0x74: {  	s0 =	simm.s32 @!p0 $0x7  }
0x75: {  	_ =	swait.ge @!p0 [sflag:s0], s1  }
0x76: {  	s1 =	ssub.s32 @!p0 $0x0, s1;
	[sflag:s0] =	ssyncset.done @!p0 $0x0  }
0x77: {  	[sflag:s0] =	ssyncadd.s32 @!p0 s1  }
0x78: {  	[bflag:$0x3] =	sbarrier.arrive $0xFFFF  }
0x79: {  	_ =	shalt  }

// kernel: kernel.7.cloned.1.call-start
scs
__scs_entry_jumppad:
0x0: {  	(pc) =	sbr.rel $0x88, $3  }
0x1: {  	(tag) =	ssettag $0x0;
	lr =	simm.s32 $0x1  }
0x2: {  	[smem:$0x3F9A] =	sst lr;
	_ =	strace $0xD0000000  }
0x3: {  	_ = 	snop  }
0x4: {  	_ = 	snop  }
0x5: {  	_ = 	snop  }
0x6: {  	_ = 	snop  }
0x7: {  	_ = 	snop  }
__scs_overlays_trampoline_lowered:
0x8: {  	[smem:$0x3FA9] =	sst s0  }
0x9: {  	[smem:$0x3FAA] =	sst s1  }
0xa: {  	[smem:$0x3FAB] =	sst s2  }
0xb: {  	[smem:$0x3FAC] =	sst s3  }
0xc: {  	[smem:$0x3FAD] =	sst s4  }
0xd: {  	[smem:$0x3FAE] =	sst s5  }
0xe: {  	[smem:$0x3FAF] =	sst s6  }
0xf: {  	[smem:$0x3FB0] =	sst s7  }
0x10: {  	[smem:$0x3FB1] =	sst s8  }
0x11: {  	[smem:$0x3FB2] =	sst s9;
	s0 =	simm.s32 @!p0 $0x0  }
0x12: {  	s1 =	sld [smem:$0x3F98];
	s0 =	simm.s32 @p0 $0x1  }
0x13: {  	[smem:$0x3FB3] =	sst s0;
	s0 =	simm.s32 @!p1 $0x0  }
0x14: {  	s2 =	sld [smem:$0x3F97];
	s0 =	simm.s32 @p1 $0x1  }
0x15: {  	[smem:$0x3FB4] =	sst s0;
	s0 =	simm.s32 @!p2 $0x0  }
0x16: {  	s3 =	sld [smem:$0x3FDB];
	s0 =	simm.s32 @p2 $0x1  }
0x17: {  	s4 =	simm.s32 $0x1BF5;
	[smem:$0x3FB6] =	sst s0  }
0x18: {  	s0 =	sld [smem:$0x3F99];
	_ =	swait.ge [sflag:s4], $0x0  }
0x19: {  	s7 =	sld [smem:$0x3F9A]  }
0x1a: {  	s8 =	sadd.s32 $0xFFFFE003, lr  }
0x1b: {  	s9 =	sadd.s32 $0xFFFFFEF7, lr;
	s5 =	simm.s32 $0xFFFFFFFF;
	p2 =	slt.u32 s8, $0xFFFFF086  }
0x1c: {  	p1 =	slt.u32 s9, $0xF7A;
	s5 =	simm.s32 @!p2 $0x0  }
0x1d: {  	s5 =	simm.s32 @p1 $0x1;
	p0 =	seq.s32 s7, s2  }
0x1e: {  	s7 =	smul.u32 @!p0 $0xF7A, s2;
	p2 =	seq.s32 @!p0 s5, $0x0  }
0x1f: {  	s9 =	smul.u32 $0xF7A, s1;
	s8 =	simm.s32 @!p0 $0x1BF5;
	p2 =	por !p2, p0  }
0x20: {  	[sflag:s8] =	ssyncset.s32 @!p0 $0xFFFFF086;
	s6 =	sadd.s32 @!p0 s3, s7;
	s7 =	simm.s32 @!p0 $0x108  }
0x21: {  	s3 =	sadd.s32 s3, s9;
	s6 =	sadd.s32 @!p0 $0x88, s6;
	s7 =	simm.s32 @p2 $0x1082  }
0x22: {  	[simem:s7], [sflag:s8] =	dma.local @!p0 [hbm:s6], $0xF7A  }
0x23: {  	s9 =	sor.u32 $0xD0000000, s2;
	s6 =	simm.s32 $0x108;
	_ =	swait.ge @!p0 [sflag:s8], $0x0  }
0x24: {  	s3 =	sadd.s32 $0x88, s3;
	s6 =	simm.s32 @!p1 $0x1082;
	[sflag:s4] =	ssyncset.s32 $0xFFFFF086  }
0x25: {  	[simem:s6], [sflag:s4] =	dma.local [hbm:s3], $0xF7A  }
0x26: {  	[smem:$0x3F9A] =	sst s1;
	(tag) =	ssettag s2;
	_ =	strace s9  }
0x27: {  	s1 =	sld [smem:$0x3FAA]  }
0x28: {  	s2 =	sld [smem:$0x3FAB]  }
0x29: {  	s4 =	sld [smem:$0x3FAD]  }
0x2a: {  	p0 =	seq.s32 s5, $0x0;
	s5 =	sld [smem:$0x3FAE]  }
0x2b: {  	s6 =	sld [smem:$0x3FAF]  }
0x2c: {  	s7 =	sld [smem:$0x3FB0]  }
0x2d: {  	s3 =	simm.s32 $0x108;
	s8 =	sld [smem:$0x3FB1]  }
0x2e: {  	s3 =	simm.s32 @!p0 $0x1082;
	s9 =	sld [smem:$0x3FB2]  }
0x2f: {  	lr =	sadd.s32 s0, s3;
	s0 =	sld [smem:$0x3FA9]  }
0x30: {  	s3 =	sld [smem:$0x3FAC]  }
0x31: {  	[smem:$0x3FB5] =	sst s10  }
0x32: {  	s10 =	sld [smem:$0x3FB3];
	_ =	sdelay $0x3  }
0x33: {  	p0 =	seq.s32 s10, $0x1;
	s10 =	sld [smem:$0x3FB5];
	_ =	sdelay $0x3  }
0x34: {  	[smem:$0x3FB5] =	sst s10  }
0x35: {  	s10 =	sld [smem:$0x3FB4];
	_ =	sdelay $0x3  }
0x36: {  	p1 =	seq.s32 s10, $0x1;
	s10 =	sld [smem:$0x3FB5];
	_ =	sdelay $0x3  }
0x37: {  	[smem:$0x3FB5] =	sst s10  }
0x38: {  	s10 =	sld [smem:$0x3FB6]  }
0x39: {  	_ = 	snop;
	(pc) =	sbr.ind lr, $3  }
0x3a: {  	_ = 	snop  }
0x3b: {  	_ = 	snop  }
0x3c: {  	p2 =	seq.s32 s10, $0x1;
	s10 =	sld [smem:$0x3FB5]  }
0x3d: {  	_ =	shalt  }
0x3e: {  	_ =	shalt  }
0x3f: {  	_ =	shalt  }
0x40: {  	_ =	shalt  }
0x41: {  	_ =	shalt  }
0x42: {  	_ =	shalt  }
0x43: {  	_ =	shalt  }
0x44: {  	_ =	shalt  }
0x45: {  	_ =	shalt  }
0x46: {  	_ =	shalt  }
0x47: {  	_ =	shalt  }
0x48: {  	_ =	shalt  }
0x49: {  	_ =	shalt  }
0x4a: {  	_ =	shalt  }
0x4b: {  	_ =	shalt  }
0x4c: {  	_ =	shalt  }
0x4d: {  	_ =	shalt  }
0x4e: {  	_ =	shalt  }
0x4f: {  	_ =	shalt  }
0x50: {  	_ =	shalt  }
0x51: {  	_ =	shalt  }
0x52: {  	_ =	shalt  }
0x53: {  	_ =	shalt  }
0x54: {  	_ =	shalt  }
0x55: {  	_ =	shalt  }
0x56: {  	_ =	shalt  }
0x57: {  	_ =	shalt  }
0x58: {  	_ =	shalt  }
0x59: {  	_ =	shalt  }
0x5a: {  	_ =	shalt  }
0x5b: {  	_ =	shalt  }
0x5c: {  	_ =	shalt  }
0x5d: {  	_ =	shalt  }
0x5e: {  	_ =	shalt  }
0x5f: {  	_ =	shalt  }
0x60: {  	_ =	shalt  }
0x61: {  	_ =	shalt  }
0x62: {  	_ =	shalt  }
0x63: {  	_ =	shalt  }
0x64: {  	_ =	shalt  }
0x65: {  	_ =	shalt  }
0x66: {  	_ =	shalt  }
0x67: {  	_ =	shalt  }
0x68: {  	_ =	shalt  }
0x69: {  	_ =	shalt  }
0x6a: {  	_ =	shalt  }
0x6b: {  	_ =	shalt  }
0x6c: {  	_ =	shalt  }
0x6d: {  	_ =	shalt  }
0x6e: {  	_ =	shalt  }
0x6f: {  	_ =	shalt  }
0x70: {  	_ =	shalt  }
0x71: {  	_ =	shalt  }
0x72: {  	_ =	shalt  }
0x73: {  	_ =	shalt  }
0x74: {  	_ =	shalt  }
0x75: {  	_ =	shalt  }
0x76: {  	_ =	shalt  }
0x77: {  	_ =	shalt  }
0x78: {  	_ =	shalt  }
0x79: {  	_ =	shalt  }
0x7a: {  	_ =	shalt  }
0x7b: {  	_ =	shalt  }
0x7c: {  	_ =	shalt  }
0x7d: {  	_ =	shalt  }
0x7e: {  	_ =	shalt  }
0x7f: {  	_ =	shalt  }
0x80: {  	_ =	shalt  }
0x81: {  	_ =	shalt  }
0x82: {  	_ =	shalt  }
0x83: {  	_ =	shalt  }
0x84: {  	_ =	shalt  }
0x85: {  	_ =	shalt  }
0x86: {  	_ =	shalt  }
0x87: {  	_ =	shalt  }
.Lfunc_end0:
.L_simem_size_0:
called_computation_lowered:
.L_overlay_start_0:
0x88: {  	s2 =	sld [smem:$0x3FD9]  }
0x89: {  	s3 =	sld [smem:$0x3FFE];
	_ =	sdelay $0x1  }
0x8a: {  	s1 =	srdreg.scid  }
0x8b: {  	s0 =	sand.u32 $0x1, s1  }
0x8c: {  	s17 =	sshll.u32 s0, $0xA;
	s2 =	sadd.s32 s3, s2  }
0x8d: {  	s2 =	sadd.s32 s2, s17  }
0x8e: {  	[smem:$0x3FC1] =	sst s2  }
0x8f: {  	_ = 	snop  }
0x90: {  	s2 =	sld [smem:$0x3FD0];
	(tm) =	ssettm $0x1  }
0x91: {  	s18 =	sld [smem:$0x3FFB];
	_ =	sdelay $0x3  }
0x92: {  	_ =	strace s18  }
0x93: {  	s3 =	sld [smem:$0x3FFC];
	_ =	sdelay $0x3  }
0x94: {  	_ =	strace s3  }
0x95: {  	s3 =	sld [smem:$0x3FFD];
	_ =	sdelay $0x3  }
0x96: {  	_ =	strace s3  }
0x97: {  	_ =	strace $0x8FFFFFFF  }
0x98: {  	s19 =	sld [smem:$0x3FDB];
	_ =	sdelay $0x1  }
0x99: {  	s4 =	simm.s32 $_scs_section_size  }
0x9a: {  	s5 =	simm.s32 $_size__tile_overlayer_lowered;
	s6 =	simm.s32 $_tile_overlayer_lowered  }
0x9b: {  	s22 =	simm.s32 $0x1BFF;
	s21 =	sshll.u32 s6, $0x1;
	s3 =	sadd.s32 s4, s19  }
0x9c: {  	s7 =	simm.s32 $0x0;
	s20 =	sshll.u32 s5, $0x1;
	s5 =	sadd.s32 s21, s3  }
0x9d: {  	[timem:s7], [sflag:s22] =	dma.local [hbm:s5], s20  }
0x9e: {  	_ =	swait.ge [sflag:s22], s20  }
0x9f: {  	s4 =	ssub.s32 $0x0, s20;
	[sflag:s22] =	ssyncset.done $0x0  }
0xa0: {  	[sflag:s22] =	ssyncadd.s32 s4;
	_ =	sdelay $0x1  }
0xa1: {  	s23 =	simm.s32 $0x1B8B  }
0xa2: {  	_ =	swait.ge [sflag:s23], $0x1  }
0xa3: {  	[sflag:s23] =	ssyncset.done $0x0  }
0xa4: {  	s25 =	simm.s32 $0x1B8E;
	s24 =	sld [smem:$0x3FFE];
	[sflag:s23] =	ssyncadd.s32 $0xFFFFFFFF  }
0xa5: {  	s26 =	simm.s32 $execute0_lowered;
	[smem:$0x3FD2] =	sst s25  }
0xa6: {  	s5 =	sshll.u32 s26, $0x1;
	_ =	strace $0x80000046;
	[dreg:$0x1] =	wrdreg $0xFFFFFFFF  }
0xa7: {  	s28 =	simm.s32 $_size_execute0_lowered;
	s3 =	sadd.s32 s3, s5;
	[dreg:$0x0] =	wrdreg $0x0  }
0xa8: {  	s5 =	sshll.u32 s28, $0x1;
	[dreg:$0x2] =	wrdreg s3  }
0xa9: {  	[dreg:$0x3] =	wrdreg s5  }
0xaa: {  	[dreg:$0x4] =	wrdreg $0xC0  }
0xab: {  	_ =	task [dreg:s7], $0x5FFFF  }
0xac: {  	[dreg:$0x1] =	wrdreg $0xFFFFFFFF  }
0xad: {  	[dreg:$0x0] =	wrdreg $0x60  }
0xae: {  	[dreg:$0x2] =	wrdreg s2  }
0xaf: {  	[dreg:$0x3] =	wrdreg s24  }
0xb0: {  	[dreg:$0x4] =	wrdreg $0x82000  }
0xb1: {  	[dreg:$0x5] =	wrdreg $0x9  }
0xb2: {  	_ =	task.clear_ibuf [dreg:s7], $0x6FFFF;
	_ =	strace $0x90000046  }
0xb3: {  	s29 =	simm.s32 $0x9;
	_ =	strace $0x80000048  }
0xb4: {  	_ =	swait.ge [sflag:s29], $0x1  }
0xb5: {  	[sflag:s29] =	ssyncadd.s32 $0xFFFFFFFF  }
0xb6: {  	_ =	strace $0x90000048  }
0xb7: {  	_ =	sfence  }
0xb8: {  	s30 =	sld [smem:$0x0];
	_ =	sdelay $0x2  }
0xb9: {  	s31 =	sshll.u32 s1, $0xD;
	s1 =	sshrl.u32 s1, $0x2  }
0xba: {  	s3 =	sand.u32 $0x4000, s31;
	s1 =	sadd.s32 s1, s30  }
0xbb: {  	s0 =	sor.u32 s3, s0;
	s1 =	sshll.u32 s1, $0x11  }
0xbc: {  	s0 =	sor.u32 s1, s0  }
0xbd: {  	s0 =	sadd.s32 $0x8F2B, s0  }
0xbe: {  	[sflag:s0] =	ssyncadd.remote.s32 $0x1  }
0xbf: {  	_ =	sfence.sel $0xFFFF  }
0xc0: {  	[dreg:$0x0] =	wrdreg $0xFFFFFFFF;
	(pc) =	sbr.abs _section_cstart, $3  }
0xc1: {  	[dreg:$0x1] =	wrdreg $0xFFFFFFFF  }
0xc2: {  	_ =	task.clear_ibuf [dreg:s7], $0x2FFFF;
	_ =	strace $0x9FFFFFFF  }
0xc3: {  	(tm) =	ssettm $0x7FFFFFFF  }
tec
execute0_lowered:
.L_overlay_start_1:
0x0: {  	(tag) =	ssettag $0x1  }
0x1: {  	s1 =	rddreg [dreg:$0x0]  }
0x2: {  	s6 =	rddreg [dreg:$0x1]  }
0x3: {  	s2 =	rddreg [dreg:$0x2]  }
0x4: {  	s3 =	srdreg.scid;
	s0 =	rddreg [dreg:$0x3]  }
0x5: {  	s4 =	simm.s32 $0x0;
	s16 =	simm.s32 $0x1;
	s17 =	simm.s32 $0x80  }
0x6: {  	s18 =	simm.s32 $0x200;
	s19 =	simm.s32 $0x2;
	s7 =	sand.u32 $0x1, s3  }
0x7: {  	s20 =	simm.s32 $0x4200;
	s3 =	stileid.u32;
	s5 =	smul.u32 $0x13C000, s7  }
0x8: {  	s21 =	simm.s32 $0x3;
	s22 =	simm.s32 $0x4;
	s8 =	smul.u32 $0x13C00, s3  }
0x9: {  	s23 =	simm.s32 $0x180;
	[smem:$0x7FF] =	sst s4;
	s10 =	smul.u32 $0x4F000, s3  }
0xa: {  	s9 =	sshll.u32 s7, $0x4;
	s24 =	ssub.s32 $0x2, s7;
	s7 =	smul.u32 $0x50000, s7  }
0xb: {  	s12 =	sadd.s32 $0x1000, s6;
	_ =	strace $0x80000047;
	s13 =	smul.u32 $0x5000, s3  }
0xc: {  	s28 =	sshll.u32 s3, $0x6;
	s9 =	sor.u32 s3, s9;
	s25 =	sshrl.u32 s24, $0x1  }
0xd: {  	s8 =	sadd.s32 s8, s5;
	s5 =	sadd.s32 $0x15000, s6;
	s9 =	smul.u32 $0x5000, s9  }
0xe: {  	s10 =	sshrl.u32 s10, $0x2;
	s14 =	ssub.s32 s24, s25;
	s29 =	sadd.s32 s13, s7  }
0xf: {  	s7 =	sor.u32 $0x1C07, s28;
	s24 =	simm.s32 $0x5;
	s25 =	simm.s32 $0x6  }
0x10: {  	s8 =	sshrl.u32 s8, $0x3;
	s15 =	sadd.s32 s10, s2;
	s13 =	sor.u32 $0x300, s29  }
0x11: {  	s31 =	sor.u32 $0x200, s29;
	s10 =	smax.u32 s14, $0x1;
	s14 =	simm.s32 $0x7  }
0x12: {  	s11 =	sadd.s32 s8, s6;
	s26 =	sshrl.u32 s9, $0x3;
	s30 =	sshrl.u32 s13, $0x3  }
0x13: {  	s13 =	sshrl.u32 s31, $0x3;
	s6 =	sadd.s32 s12, s26;
	s9 =	sadd.s32 $0x17800, s11  }
0x14: {  	s11 =	sadd.s32 s30, s12;
	s12 =	sadd.s32 s13, s12;
	s13 =	sshrl.u32 s15, $0x3  }
0x15: {  	s15 =	simm.s32 $0x100;
	s26 =	simm.s32 $0x0;
	s8 =	sadd.s32 $0x20, s6  }
.LBB2_1:
0x16: {  	[spmem:s13], [sflag:s7] =	dma.local [hbm:s5], $0x2780  }
0x17: {  	_ =	swait.ge [sflag:s14], $0x2780  }
0x18: {  	[sflag:s14] =	ssyncset.done $0x0  }
0x19: {  	[sflag:s14] =	ssyncadd.s32 $0xFFFFD880  }
0x1a: {  	[tilespmem:s4], [sflag:$0x1] =	stream.linear.gather [hbm4b:s6+s4], $0x100, $0x38;
	[tilespmem:$0x1BE00] =	vst v63  }
0x1b: {  	_ = 	snop  }
0x1c: {  	[tilespmem:s15], [sflag:$0x2] =	stream.linear.gather [hbm4b:s8+s4], $0x100, $0x38;
	[tilespmem:$0x1BE00] =	vst v63  }
0x1d: {  	[bflag:$0x0] =	sbarrier.arrive $0xFFFF  }
0x1e: {  	_ =	swait.ge [sflag:s16], $0x100  }
0x1f: {  	[sflag:s16] =	ssyncset.done $0x0  }
0x20: {  	[sflag:s16] =	ssyncadd.s32 $0xFFFFFF00  }
0x21: {  	[tilespmem:s18], [sflag:$0x3] =	stream.indirect.gather [hbm4b:s1+s17], $0x80, s4, s17, $0xb8;
	[tilespmem:$0x1BE00] =	vst v63  }
0x22: {  	_ =	swait.ge [sflag:s19], $0x100  }
0x23: {  	[sflag:s19] =	ssyncset.done $0x0  }
0x24: {  	[sflag:s19] =	ssyncadd.s32 $0xFFFFFF00  }
0x25: {  	[tilespmem:s20], [sflag:$0x4] =	stream.indirect.gather [hbm4b:s1+s17], $0x80, s15, s17, $0xb8;
	[tilespmem:$0x1BE00] =	vst v63  }
0x26: {  	_ =	swait.ge [sflag:s21], $0x4000  }
0x27: {  	[sflag:s21] =	ssyncset.done $0x0  }
0x28: {  	[sflag:s21] =	ssyncadd.s32 $0xFFFFC000  }
0x29: {  	[spmem:s2] =	stream.indirect.scatter.add.f32 [tilespmem:s18], [sflag:$0x5], $0x80, s17, s17, $0xb8;
	[tilespmem:$0x1BE00] =	vst v63  }
0x2a: {  	_ =	swait.ge [sflag:s22], $0x4000  }
0x2b: {  	[sflag:s22] =	ssyncset.done $0x0  }
0x2c: {  	[sflag:s22] =	ssyncadd.s32 $0xFFFFC000  }
0x2d: {  	[spmem:s2] =	stream.indirect.scatter.add.f32 [tilespmem:s20], [sflag:$0x6], $0x80, s23, s17, $0xb8;
	[tilespmem:$0x1BE00] =	vst v63  }
0x2e: {  	_ =	swait.ge [sflag:s24], $0x4000  }
0x2f: {  	[sflag:s24] =	ssyncset.done $0x0  }
0x30: {  	s28 =	sadd.s32 $0x0, s12;
	[sflag:s24] =	ssyncadd.s32 $0xFFFFC000  }
0x31: {  	[tilespmem:s4], [sflag:$0x1] =	stream.linear.gather [hbm4b:s28+s4], $0x100, $0x38;
	[tilespmem:$0x1BE00] =	vst v63  }
0x32: {  	_ =	swait.ge [sflag:s25], $0x4000  }
0x33: {  	[sflag:s25] =	ssyncset.done $0x0  }
0x34: {  	s29 =	sadd.s32 $0x0, s11;
	s28 =	simm.s32 $0x40;
	[sflag:s25] =	ssyncadd.s32 $0xFFFFC000  }
.LBB2_2:
0x35: {  	[tilespmem:s15], [sflag:$0x2] =	stream.linear.gather [hbm4b:s29+s4], $0x100, $0x38;
	[tilespmem:$0x1BE00] =	vst v63  }
0x36: {  	s29 =	smov.u32 s28  }
0x37: {  	p0 =	sne.s32 s28, $0x980;
	s28 =	sadd.s32 $0x40, s28;
	_ =	swait.ge [sflag:s16], $0x100  }
0x38: {  	[sflag:s16] =	ssyncset.done $0x0  }
0x39: {  	[sflag:s16] =	ssyncadd.s32 $0xFFFFFF00  }
0x3a: {  	[tilespmem:s18], [sflag:$0x3] =	stream.indirect.gather [hbm4b:s1+s17], $0x80, s4, s17, $0xb8;
	[tilespmem:$0x1BE00] =	vst v63  }
0x3b: {  	_ =	swait.ge [sflag:s19], $0x100  }
0x3c: {  	[sflag:s19] =	ssyncset.done $0x0  }
0x3d: {  	[sflag:s19] =	ssyncadd.s32 $0xFFFFFF00  }
0x3e: {  	[tilespmem:s20], [sflag:$0x4] =	stream.indirect.gather [hbm4b:s1+s17], $0x80, s15, s17, $0xb8;
	[tilespmem:$0x1BE00] =	vst v63  }
0x3f: {  	_ =	swait.ge [sflag:s21], $0x4000  }
0x40: {  	[sflag:s21] =	ssyncset.done $0x0  }
0x41: {  	[sflag:s21] =	ssyncadd.s32 $0xFFFFC000  }
0x42: {  	[spmem:s2] =	stream.indirect.scatter.add.f32 [tilespmem:s18], [sflag:$0x5], $0x80, s17, s17, $0xb8;
	[tilespmem:$0x1BE00] =	vst v63  }
0x43: {  	_ =	swait.ge [sflag:s22], $0x4000  }
0x44: {  	[sflag:s22] =	ssyncset.done $0x0  }
0x45: {  	[sflag:s22] =	ssyncadd.s32 $0xFFFFC000  }
0x46: {  	[spmem:s2] =	stream.indirect.scatter.add.f32 [tilespmem:s20], [sflag:$0x6], $0x80, s23, s17, $0xb8;
	[tilespmem:$0x1BE00] =	vst v63  }
0x47: {  	_ =	swait.ge [sflag:s24], $0x4000  }
0x48: {  	[sflag:s24] =	ssyncset.done $0x0  }
.Ltmp0:
0x49: {  	s30 =	sadd.s32 s29, s12;
	[sflag:s24] =	ssyncadd.s32 $0xFFFFC000;
	(pc) =	sbr.rel @p0 .LBB2_2-.Ltmp0, $4  }
0x4a: {  	[tilespmem:s4], [sflag:$0x1] =	stream.linear.gather [hbm4b:s30+s4], $0x100, $0x38;
	[tilespmem:$0x1BE00] =	vst v63  }
0x4b: {  	_ =	swait.ge [sflag:s25], $0x4000  }
0x4c: {  	[sflag:s25] =	ssyncset.done $0x0  }
0x4d: {  	s29 =	sadd.s32 s29, s11;
	[sflag:s25] =	ssyncadd.s32 $0xFFFFC000  }
0x4e: {  	[tilespmem:s15], [sflag:$0x2] =	stream.linear.gather [hbm4b:s29+s4], $0x100, $0x38;
	[tilespmem:$0x1BE00] =	vst v63  }
0x4f: {  	_ =	swait.ge [sflag:s16], $0x100  }
0x50: {  	[sflag:s16] =	ssyncset.done $0x0  }
0x51: {  	[sflag:s16] =	ssyncadd.s32 $0xFFFFFF00  }
0x52: {  	[tilespmem:s18], [sflag:$0x3] =	stream.indirect.gather [hbm4b:s1+s17], $0x80, s4, s17, $0xb8;
	[tilespmem:$0x1BE00] =	vst v63  }
0x53: {  	_ =	swait.ge [sflag:s19], $0x100  }
0x54: {  	[sflag:s19] =	ssyncset.done $0x0  }
0x55: {  	[sflag:s19] =	ssyncadd.s32 $0xFFFFFF00  }
0x56: {  	[tilespmem:s20], [sflag:$0x4] =	stream.indirect.gather [hbm4b:s1+s17], $0x80, s15, s17, $0xb8;
	[tilespmem:$0x1BE00] =	vst v63  }
0x57: {  	_ =	swait.ge [sflag:s21], $0x4000  }
0x58: {  	[sflag:s21] =	ssyncset.done $0x0  }
0x59: {  	[sflag:s21] =	ssyncadd.s32 $0xFFFFC000  }
0x5a: {  	[spmem:s2] =	stream.indirect.scatter.add.f32 [tilespmem:s18], [sflag:$0x5], $0x80, s17, s17, $0xb8;
	[tilespmem:$0x1BE00] =	vst v63  }
0x5b: {  	_ =	swait.ge [sflag:s22], $0x4000  }
0x5c: {  	[sflag:s22] =	ssyncset.done $0x0  }
0x5d: {  	[sflag:s22] =	ssyncadd.s32 $0xFFFFC000  }
0x5e: {  	[spmem:s2] =	stream.indirect.scatter.add.f32 [tilespmem:s20], [sflag:$0x6], $0x80, s23, s17, $0xb8;
	[tilespmem:$0x1BE00] =	vst v63  }
0x5f: {  	_ =	swait.ge [sflag:s24], $0x4000  }
0x60: {  	[sflag:s24] =	ssyncset.done $0x0  }
0x61: {  	[sflag:s24] =	ssyncadd.s32 $0xFFFFC000  }
0x62: {  	_ =	swait.ge [sflag:s25], $0x4000  }
0x63: {  	s26 =	sadd.s32 $0x1, s26;
	[sflag:s25] =	ssyncset.done $0x0  }
0x64: {  	p0 =	sne.s32 s26, s10;
	[sflag:s25] =	ssyncadd.s32 $0xFFFFC000  }
.Ltmp1:
0x65: {  	[bflag:$0x0] =	sbarrier.arrive $0xFFFF;
	(pc) =	sbr.rel @p0 .LBB2_1-.Ltmp1, $4  }
0x66: {  	[hbm:s9], [sflag:s7] =	dma.local [spmem:s13], $0x2780  }
0x67: {  	_ =	swait.ge [sflag:s14], $0x2780  }
0x68: {  	[sflag:s14] =	ssyncset.done $0x0  }
0x69: {  	[sflag:s14] =	ssyncadd.s32 $0xFFFFD880  }
0x6a: {  	_ =	sfence.sel $0x180000  }
0x6b: {  	[bflag:$0x0] =	sbarrier.arrive $0xFFFF  }
0x6c: {  	p0 =	sne.s32 s3, $0x0;
	_ =	strace $0x90000047  }
0x6d: {  	s0 =	sadd.s32 @!p0 $0x100000, s0;
	[bflag:$0x2] =	sbarrier.arrive $0xFFFF  }
0x6e: {  	[sflag:s0] =	ssyncadd.tile.s32 @!p0 $0x1;
	_ =	shalt  }
.Lfunc_end2:
_tile_overlayer_lowered:
.L_overlay_start_2:
0x6f: {  	(tag) =	ssettag $0x2  }
0x70: {  	s0 =	rddreg [dreg:$0x0];
	s2 =	stileid.u32  }
0x71: {  	s1 =	rddreg [dreg:$0x1];
	p0 =	sne.s32 s2, $0x0  }
0x72: {  	s3 =	rddreg [dreg:$0x2];
	[bflag:$0x3] =	sbarrier.arrive $0xFFFF;
	s2 =	simm.s32 @!p0 $0x1C07  }
0x73: {  	[timem:s3], [sflag:s2] =	dma.local @!p0 [hbm:s0], s1  }
0x74: {  	s0 =	simm.s32 @!p0 $0x7  }
0x75: {  	_ =	swait.ge @!p0 [sflag:s0], s1  }
0x76: {  	s1 =	ssub.s32 @!p0 $0x0, s1;
	[sflag:s0] =	ssyncset.done @!p0 $0x0  }
0x77: {  	[sflag:s0] =	ssyncadd.s32 @!p0 s1  }
0x78: {  	[bflag:$0x3] =	sbarrier.arrive $0xFFFF  }
0x79: {  	_ =	shalt  }

</sc_bundles>
